<compile_context>
chip_gen: v7x
topology: tpu7x:2x2x1
jax: 0.10.2.dev20260603
libtpu: 0.0.44.dev20260713+nightly
codegen_flags: <defaults>
</compile_context>

<pallas_src>
import functools

import jax
import jax.numpy as jnp
from jax import lax
from jax.experimental import pallas as pl
from jax.experimental.pallas import tpu as pltpu
from jax.experimental.pallas import tpu_sc as plsc

D = 32
NW = 32
NC = 2


def _rsqrt(t):
    i = lax.bitcast_convert_type(t, jnp.int32)
    i = jnp.int32(0x5F3759DF) - lax.shift_right_logical(i, 1)
    y = lax.bitcast_convert_type(i, jnp.float32)
    half = jnp.float32(0.5)
    three_half = jnp.float32(1.5)
    for _ in range(3):
        y = y * (three_half - half * t * y * y)
    return y


def _fused_sc(table, idx, batch):
    per_w = batch // NW
    slots = 2 * per_w
    groups = slots // 16
    vrows = slots // 4
    mesh = plsc.VectorSubcoreMesh(core_axis_name="c", subcore_axis_name="s")

    @functools.partial(
        pl.kernel,
        out_type=jax.ShapeDtypeStruct((batch,), jnp.float32),
        mesh=mesh,
        compiler_params=pltpu.CompilerParams(
            use_tc_tiling_on_sc=True,
            needs_layout_passes=False,
            skip_device_barrier=True,
            disable_semaphore_checks=True,
            disable_bounds_checks=True,
        ),
        scratch_types=[
            pltpu.VMEM((slots // 128, 128), jnp.int32),
            pltpu.VMEM((vrows, 128), jnp.float32),
            pltpu.VMEM((per_w,), jnp.float32),
            pltpu.SemaphoreType.DMA,
        ],
    )
    def k(table_hbm, idx_hbm, out_hbm, idx_v, rows_v, out_v, sem):
        wid = lax.axis_index("s") * NC + lax.axis_index("c")
        pltpu.sync_copy(idx_hbm.at[wid], idx_v)

        def fire(g, _):
            ivec = idx_v[g // 8, pl.ds((g % 8) * 16, 16)]
            for l in range(16):
                pltpu.async_copy(
                    table_hbm.at[ivec[l]],
                    rows_v.at[g * 4 + l // 4, pl.ds((l % 4) * 32, 32)],
                    sem,
                )
            return 0

        lax.fori_loop(0, groups, fire, 0)

        def drain(j, _):
            pltpu.make_async_copy(
                table_hbm.at[0], rows_v.at[0, pl.ds(0, 32)], sem
            ).wait()
            return 0

        lax.fori_loop(0, slots, drain, 0)

        def comp(g, _):
            lanes = lax.iota(jnp.int32, 16)
            onehots = [lanes == jnp.int32(l) for l in range(16)]
            dot = jnp.zeros((16,), jnp.float32)
            s1 = jnp.zeros((16,), jnp.float32)
            s2 = jnp.zeros((16,), jnp.float32)
            for l in range(16):
                row = g * 8 + l // 2
                col = (l % 2) * 64
                a0 = rows_v[row, pl.ds(col, 16)]
                a1 = rows_v[row, pl.ds(col + 16, 16)]
                b0 = rows_v[row, pl.ds(col + 32, 16)]
                b1 = rows_v[row, pl.ds(col + 48, 16)]
                dot = jnp.where(onehots[l], jnp.sum(a0 * b0 + a1 * b1), dot)
                s1 = jnp.where(onehots[l], jnp.sum(a0 * a0 + a1 * a1), s1)
                s2 = jnp.where(onehots[l], jnp.sum(b0 * b0 + b1 * b1), s2)
            eps2 = jnp.float32(1e-16)
            t = jnp.maximum(s1, eps2) * jnp.maximum(s2, eps2)
            sim = dot * _rsqrt(t)
            out_v[pl.ds(g * 16, 16)] = jnp.float32(0.5) + jnp.float32(0.5) * sim
            return 0

        lax.fori_loop(0, per_w // 16, comp, 0)
        base = pl.multiple_of(wid * per_w, 8)
        pltpu.sync_copy(out_v, out_hbm.at[pl.ds(base, per_w)])

    return k(table, idx)


def kernel(x, table):
    x = x.reshape(-1, 2)
    batch = x.shape[0]
    slots = (2 * batch) // NW
    idx = x.astype(jnp.int32).reshape(NW, slots // 128, 128)
    return _fused_sc(table, idx, batch)

# --- scband reference (transcript-rebuilt; emitter-appended) ---
"""Pipeline reference for scband-regression-model-5841155522662 (READ-ONLY COPY).

The authoritative reference and input builder live on the scoring server;
editing this copy changes nothing except your own understanding.
"""

import jax, jax.numpy as jnp
import numpy as np

NUM_EMBEDDINGS = 1000000
EMBED_DIM = 32
BATCH = 16384


def setup_inputs(seed: int = 0) -> dict:
    key = jax.random.key(seed)
    k1, k2 = jax.random.split(key)
    x = jax.random.randint(k1, (BATCH, 2), 0, NUM_EMBEDDINGS, dtype=jnp.int64 if jax.config.jax_enable_x64 else jnp.int32).astype(jnp.int32)
    table = jax.random.normal(k2, (NUM_EMBEDDINGS, EMBED_DIM), dtype=jnp.float32)
    return {"x": x, "table": table}


def reference(x, table):
    # x: int[B, 2] pairs of indices; table: float32[V, D] embedding weight
    x = x.reshape(-1, 2)
    idx_d1 = x[:, 0]
    idx_d2 = x[:, 1]
    e1 = jnp.take(table, idx_d1, axis=0)
    e2 = jnp.take(table, idx_d2, axis=0)
    eps = 1e-8
    # torch.nn.CosineSimilarity(dim=1, eps=1e-8):
    # sim = sum(e1*e2) / (max(||e1||, eps) * max(||e2||, eps))
    n1 = jnp.maximum(jnp.sqrt(jnp.sum(e1 * e1, axis=1)), eps)
    n2 = jnp.maximum(jnp.sqrt(jnp.sum(e2 * e2, axis=1)), eps)
    sim = jnp.sum(e1 * e2, axis=1) / (n1 * n2)
    return 0.5 + 0.5 * sim

if __name__ == "__main__":
    import jax
    _d = setup_inputs()
    print(jax.jit(kernel)(*tuple(_d.values())))

</pallas_src>

<mosaic_0001>
#map = affine_map<(d0, d1) -> (0, 0)>
#map1 = affine_map<(d0, d1) -> (0, 0, 0)>
#map2 = affine_map<(d0, d1) -> (0)>
module attributes {stable_mosaic.version = 14 : i64} {
  func.func @k(%arg0: i32, %arg1: i32, %arg2: memref<1000000x32xf32, #tpu.memory_space<hbm>>, %arg3: memref<32x8x128xi32, #tpu.memory_space<hbm>>, %arg4: memref<16384xf32, #tpu.memory_space<hbm>>, %arg5: memref<8x128xi32, #tpu.memory_space<vmem>>, %arg6: memref<256x128xf32, #tpu.memory_space<vmem>>, %arg7: memref<512xf32, #tpu.memory_space<vmem>>, %arg8: memref<!tpu.dma_semaphore, #tpu.memory_space<semaphore_mem>>) attributes {dimension_semantics = [#tpu.dimension_semantics<core_parallel>, #tpu.dimension_semantics<subcore_parallel>], iteration_bounds = array<i64: 2, 16>, scalar_prefetch = 0 : i64, scratch_operands = 4 : i64, tpu.core_type = #tpu.core_type<sc_vector_subcore>, window_params = [{transform_indices = #map}, {transform_indices = #map1}, {transform_indices = #map2}]} {
    %mul3A = arith.constant 2 : i32
    %mul3A_0 = arith.muli %arg1, %mul3A : i32
    %add3A = arith.addi %mul3A_0, %arg0 : i32
    "tpu.region"() ({
      %run_scoped3A = tpu.sem_alloc : memref<!tpu.dma_semaphore, #tpu.memory_space<semaphore_mem>>
      %dma_start3A = arith.constant 0 : i32
      %dma_start3A_23 = arith.constant 0 : i32
      %dma_start3A_24 = tpu.memref_slice %arg3[%add3A, %dma_start3A, %dma_start3A_23] : memref<32x8x128xi32, #tpu.memory_space<hbm>> -> memref<1x8x128xi32, #tpu.memory_space<hbm>>
      %dma_start3A_25 = tpu.memref_squeeze %dma_start3A_24 : memref<1x8x128xi32, #tpu.memory_space<hbm>> -> memref<8x128xi32, #tpu.memory_space<hbm>>
      %dma_start3A_26 = arith.constant 0 : i32
      %dma_start3A_27 = arith.constant 0 : i32
      %dma_start3A_28 = tpu.memref_slice %arg3[%add3A, %dma_start3A_26, %dma_start3A_27] : memref<32x8x128xi32, #tpu.memory_space<hbm>> -> memref<1x8x128xi32, #tpu.memory_space<hbm>>
      %dma_start3A_29 = tpu.memref_squeeze %dma_start3A_28 : memref<1x8x128xi32, #tpu.memory_space<hbm>> -> memref<8x128xi32, #tpu.memory_space<hbm>>
      tpu.enqueue_dma source(%dma_start3A_29 : memref<8x128xi32, #tpu.memory_space<hbm>>) target(%arg5 : memref<8x128xi32, #tpu.memory_space<vmem>>) target_semaphore(%run_scoped3A : memref<!tpu.dma_semaphore, #tpu.memory_space<semaphore_mem>>)
      %dma_wait3A = arith.constant 0 : i32
      %dma_wait3A_30 = arith.constant 0 : i32
      %dma_wait3A_31 = tpu.memref_slice %arg3[%add3A, %dma_wait3A, %dma_wait3A_30] : memref<32x8x128xi32, #tpu.memory_space<hbm>> -> memref<1x8x128xi32, #tpu.memory_space<hbm>>
      %dma_wait3A_32 = tpu.memref_squeeze %dma_wait3A_31 : memref<1x8x128xi32, #tpu.memory_space<hbm>> -> memref<8x128xi32, #tpu.memory_space<hbm>>
      %dma_wait3A_33 = arith.constant 0 : i32
      %dma_wait3A_34 = arith.constant 0 : i32
      %dma_wait3A_35 = tpu.memref_slice %arg3[%add3A, %dma_wait3A_33, %dma_wait3A_34] : memref<32x8x128xi32, #tpu.memory_space<hbm>> -> memref<1x8x128xi32, #tpu.memory_space<hbm>>
      %dma_wait3A_36 = tpu.memref_squeeze %dma_wait3A_35 : memref<1x8x128xi32, #tpu.memory_space<hbm>> -> memref<8x128xi32, #tpu.memory_space<hbm>>
      tpu.wait_dma2 semaphore(%run_scoped3A : memref<!tpu.dma_semaphore, #tpu.memory_space<semaphore_mem>>) src(%dma_wait3A_36 : memref<8x128xi32, #tpu.memory_space<hbm>>) dst(%arg5 : memref<8x128xi32, #tpu.memory_space<vmem>>)
      tpu.yield
    }) : () -> ()
    %scan3A = arith.constant 0 : i32
    %scan3A_1 = arith.constant 0 : i32
    %scan3A_2 = arith.constant 64 : i32
    %scan3A_3 = arith.addi %scan3A_1, %scan3A_2 : i32
    %scan3A_4 = arith.constant 1 : i32
    %scan3A_5 = scf.for %scan3A_23 = %scan3A_1 to %scan3A_3 step %scan3A_4 iter_args(%scan3A_24 = %scan3A) -> (i32)  : i32 {
      %jit3A = arith.constant 8 : i32
      %div3A = arith.divsi %scan3A_23, %jit3A : i32
      %sign3A = arith.constant 0 : i32
      %sign3A_25 = arith.cmpi sgt, %scan3A_23, %sign3A : i32
      %sign3A_26 = arith.extui %sign3A_25 : i1 to i32
      %sign3A_27 = arith.constant 0 : i32
      %sign3A_28 = arith.cmpi slt, %scan3A_23, %sign3A_27 : i32
      %sign3A_29 = arith.extui %sign3A_28 : i1 to i32
      %sign3A_30 = arith.subi %sign3A_26, %sign3A_29 : i32
      %sign3A_31 = arith.constant 0 : i32
      %sign3A_32 = arith.cmpi sgt, %jit3A, %sign3A_31 : i32
      %sign3A_33 = arith.extui %sign3A_32 : i1 to i32
      %sign3A_34 = arith.constant 0 : i32
      %sign3A_35 = arith.cmpi slt, %jit3A, %sign3A_34 : i32
      %sign3A_36 = arith.extui %sign3A_35 : i1 to i32
      %sign3A_37 = arith.subi %sign3A_33, %sign3A_36 : i32
      %ne3A = arith.cmpi ne, %sign3A_30, %sign3A_37 : i32
      %rem3A = arith.remsi %scan3A_23, %jit3A : i32
      %ne3A_38 = arith.constant 0 : i32
      %ne3A_39 = arith.cmpi ne, %rem3A, %ne3A_38 : i32
      %and3A = arith.andi %ne3A, %ne3A_39 : i1
      %sub3A = arith.constant 1 : i32
      %sub3A_40 = arith.subi %div3A, %sub3A : i32
      %select_n3A = arith.select %and3A, %sub3A_40, %div3A : i32
      %jit3A_41 = arith.constant 8 : i32
      %eq3A = arith.constant 0 : i32
      %eq3A_42 = arith.cmpi eq, %jit3A_41, %eq3A : i32
      %jit3A_43 = arith.constant 1 : i32
      %select_n3A_44 = arith.select %eq3A_42, %jit3A_43, %jit3A_41 : i32
      %rem3A_45 = arith.remsi %scan3A_23, %select_n3A_44 : i32
      %ne3A_46 = arith.constant 0 : i32
      %ne3A_47 = arith.cmpi ne, %rem3A_45, %ne3A_46 : i32
      %lt3A = arith.constant 0 : i32
      %lt3A_48 = arith.cmpi slt, %rem3A_45, %lt3A : i32
      %lt3A_49 = arith.constant 0 : i32
      %lt3A_50 = arith.cmpi slt, %select_n3A_44, %lt3A_49 : i32
      %ne3A_51 = arith.xori %lt3A_48, %lt3A_50 : i1
      %and3A_52 = arith.andi %ne3A_51, %ne3A_47 : i1
      %add3A_53 = arith.addi %rem3A_45, %select_n3A_44 : i32
      %select_n3A_54 = arith.select %and3A_52, %add3A_53, %rem3A_45 : i32
      %mul3A_55 = arith.constant 16 : i32
      %mul3A_56 = arith.muli %select_n3A_54, %mul3A_55 : i32
      %get3A = arith.index_cast %select_n3A : i32 to index
      %get3A_57 = arith.index_cast %mul3A_56 : i32 to index
      %get3A_58 = tpu.vector_load %arg5[%get3A, %get3A_57] {strides = array<i32>} : memref<8x128xi32, #tpu.memory_space<vmem>>, vector<16xi32>,
      %slice3A = vector.extract_strided_slice %get3A_58 {offsets = [0], sizes = [1], strides = [1]} : vector<16xi32> to vector<1xi32>
      %squeeze3A = vector.extract %slice3A[0] : i32 from vector<1xi32>
      %mul3A_59 = arith.constant 4 : i32
      %mul3A_60 = arith.muli %scan3A_23, %mul3A_59 : i32
      %add3A_61 = arith.constant 0 : i32
      %add3A_62 = arith.addi %mul3A_60, %add3A_61 : i32
      %dma_start3A = arith.constant 0 : i32
      %dma_start3A_63 = tpu.memref_slice %arg6[%add3A_62, %dma_start3A] : memref<256x128xf32, #tpu.memory_space<vmem>> -> memref<1x32xf32, #tpu.memory_space<vmem>>
      %dma_start3A_64 = tpu.memref_squeeze %dma_start3A_63 : memref<1x32xf32, #tpu.memory_space<vmem>> -> memref<32xf32, #tpu.memory_space<vmem>>
      %dma_start3A_65 = arith.constant 0 : i32
      %dma_start3A_66 = tpu.memref_slice %arg2[%squeeze3A, %dma_start3A_65] : memref<1000000x32xf32, #tpu.memory_space<hbm>> -> memref<1x32xf32, #tpu.memory_space<hbm>>
      %dma_start3A_67 = tpu.memref_squeeze %dma_start3A_66 : memref<1x32xf32, #tpu.memory_space<hbm>> -> memref<32xf32, #tpu.memory_space<hbm>>
      %dma_start3A_68 = arith.constant 0 : i32
      %dma_start3A_69 = tpu.memref_slice %arg6[%add3A_62, %dma_start3A_68] : memref<256x128xf32, #tpu.memory_space<vmem>> -> memref<1x32xf32, #tpu.memory_space<vmem>>
      %dma_start3A_70 = tpu.memref_squeeze %dma_start3A_69 : memref<1x32xf32, #tpu.memory_space<vmem>> -> memref<32xf32, #tpu.memory_space<vmem>>
      %dma_start3A_71 = arith.constant 0 : i32
      %dma_start3A_72 = tpu.memref_slice %arg2[%squeeze3A, %dma_start3A_71] : memref<1000000x32xf32, #tpu.memory_space<hbm>> -> memref<1x32xf32, #tpu.memory_space<hbm>>
      %dma_start3A_73 = tpu.memref_squeeze %dma_start3A_72 : memref<1x32xf32, #tpu.memory_space<hbm>> -> memref<32xf32, #tpu.memory_space<hbm>>
      tpu.enqueue_dma source(%dma_start3A_73 : memref<32xf32, #tpu.memory_space<hbm>>) target(%dma_start3A_70 : memref<32xf32, #tpu.memory_space<vmem>>) target_semaphore(%arg8 : memref<!tpu.dma_semaphore, #tpu.memory_space<semaphore_mem>>)
      %slice3A_74 = vector.extract_strided_slice %get3A_58 {offsets = [1], sizes = [1], strides = [1]} : vector<16xi32> to vector<1xi32>
      %squeeze3A_75 = vector.extract %slice3A_74[0] : i32 from vector<1xi32>
      %mul3A_76 = arith.constant 4 : i32
      %mul3A_77 = arith.muli %scan3A_23, %mul3A_76 : i32
      %add3A_78 = arith.constant 0 : i32
      %add3A_79 = arith.addi %mul3A_77, %add3A_78 : i32
      %dma_start3A_80 = arith.constant 32 : i32
      %dma_start3A_81 = tpu.memref_slice %arg6[%add3A_79, %dma_start3A_80] : memref<256x128xf32, #tpu.memory_space<vmem>> -> memref<1x32xf32, #tpu.memory_space<vmem>>
      %dma_start3A_82 = tpu.memref_squeeze %dma_start3A_81 : memref<1x32xf32, #tpu.memory_space<vmem>> -> memref<32xf32, #tpu.memory_space<vmem>>
      %dma_start3A_83 = arith.constant 0 : i32
      %dma_start3A_84 = tpu.memref_slice %arg2[%squeeze3A_75, %dma_start3A_83] : memref<1000000x32xf32, #tpu.memory_space<hbm>> -> memref<1x32xf32, #tpu.memory_space<hbm>>
      %dma_start3A_85 = tpu.memref_squeeze %dma_start3A_84 : memref<1x32xf32, #tpu.memory_space<hbm>> -> memref<32xf32, #tpu.memory_space<hbm>>
      %dma_start3A_86 = arith.constant 32 : i32
      %dma_start3A_87 = tpu.memref_slice %arg6[%add3A_79, %dma_start3A_86] : memref<256x128xf32, #tpu.memory_space<vmem>> -> memref<1x32xf32, #tpu.memory_space<vmem>>
      %dma_start3A_88 = tpu.memref_squeeze %dma_start3A_87 : memref<1x32xf32, #tpu.memory_space<vmem>> -> memref<32xf32, #tpu.memory_space<vmem>>
      %dma_start3A_89 = arith.constant 0 : i32
      %dma_start3A_90 = tpu.memref_slice %arg2[%squeeze3A_75, %dma_start3A_89] : memref<1000000x32xf32, #tpu.memory_space<hbm>> -> memref<1x32xf32, #tpu.memory_space<hbm>>
      %dma_start3A_91 = tpu.memref_squeeze %dma_start3A_90 : memref<1x32xf32, #tpu.memory_space<hbm>> -> memref<32xf32, #tpu.memory_space<hbm>>
      tpu.enqueue_dma source(%dma_start3A_91 : memref<32xf32, #tpu.memory_space<hbm>>) target(%dma_start3A_88 : memref<32xf32, #tpu.memory_space<vmem>>) target_semaphore(%arg8 : memref<!tpu.dma_semaphore, #tpu.memory_space<semaphore_mem>>)
      %slice3A_92 = vector.extract_strided_slice %get3A_58 {offsets = [2], sizes = [1], strides = [1]} : vector<16xi32> to vector<1xi32>
      %squeeze3A_93 = vector.extract %slice3A_92[0] : i32 from vector<1xi32>
      %mul3A_94 = arith.constant 4 : i32
      %mul3A_95 = arith.muli %scan3A_23, %mul3A_94 : i32
      %add3A_96 = arith.constant 0 : i32
      %add3A_97 = arith.addi %mul3A_95, %add3A_96 : i32
      %dma_start3A_98 = arith.constant 64 : i32
      %dma_start3A_99 = tpu.memref_slice %arg6[%add3A_97, %dma_start3A_98] : memref<256x128xf32, #tpu.memory_space<vmem>> -> memref<1x32xf32, #tpu.memory_space<vmem>>
      %dma_start3A_100 = tpu.memref_squeeze %dma_start3A_99 : memref<1x32xf32, #tpu.memory_space<vmem>> -> memref<32xf32, #tpu.memory_space<vmem>>
      %dma_start3A_101 = arith.constant 0 : i32
      %dma_start3A_102 = tpu.memref_slice %arg2[%squeeze3A_93, %dma_start3A_101] : memref<1000000x32xf32, #tpu.memory_space<hbm>> -> memref<1x32xf32, #tpu.memory_space<hbm>>
      %dma_start3A_103 = tpu.memref_squeeze %dma_start3A_102 : memref<1x32xf32, #tpu.memory_space<hbm>> -> memref<32xf32, #tpu.memory_space<hbm>>
      %dma_start3A_104 = arith.constant 64 : i32
      %dma_start3A_105 = tpu.memref_slice %arg6[%add3A_97, %dma_start3A_104] : memref<256x128xf32, #tpu.memory_space<vmem>> -> memref<1x32xf32, #tpu.memory_space<vmem>>
      %dma_start3A_106 = tpu.memref_squeeze %dma_start3A_105 : memref<1x32xf32, #tpu.memory_space<vmem>> -> memref<32xf32, #tpu.memory_space<vmem>>
      %dma_start3A_107 = arith.constant 0 : i32
      %dma_start3A_108 = tpu.memref_slice %arg2[%squeeze3A_93, %dma_start3A_107] : memref<1000000x32xf32, #tpu.memory_space<hbm>> -> memref<1x32xf32, #tpu.memory_space<hbm>>
      %dma_start3A_109 = tpu.memref_squeeze %dma_start3A_108 : memref<1x32xf32, #tpu.memory_space<hbm>> -> memref<32xf32, #tpu.memory_space<hbm>>
      tpu.enqueue_dma source(%dma_start3A_109 : memref<32xf32, #tpu.memory_space<hbm>>) target(%dma_start3A_106 : memref<32xf32, #tpu.memory_space<vmem>>) target_semaphore(%arg8 : memref<!tpu.dma_semaphore, #tpu.memory_space<semaphore_mem>>)
      %slice3A_110 = vector.extract_strided_slice %get3A_58 {offsets = [3], sizes = [1], strides = [1]} : vector<16xi32> to vector<1xi32>
      %squeeze3A_111 = vector.extract %slice3A_110[0] : i32 from vector<1xi32>
      %mul3A_112 = arith.constant 4 : i32
      %mul3A_113 = arith.muli %scan3A_23, %mul3A_112 : i32
      %add3A_114 = arith.constant 0 : i32
      %add3A_115 = arith.addi %mul3A_113, %add3A_114 : i32
      %dma_start3A_116 = arith.constant 96 : i32
      %dma_start3A_117 = tpu.memref_slice %arg6[%add3A_115, %dma_start3A_116] : memref<256x128xf32, #tpu.memory_space<vmem>> -> memref<1x32xf32, #tpu.memory_space<vmem>>
      %dma_start3A_118 = tpu.memref_squeeze %dma_start3A_117 : memref<1x32xf32, #tpu.memory_space<vmem>> -> memref<32xf32, #tpu.memory_space<vmem>>
      %dma_start3A_119 = arith.constant 0 : i32
      %dma_start3A_120 = tpu.memref_slice %arg2[%squeeze3A_111, %dma_start3A_119] : memref<1000000x32xf32, #tpu.memory_space<hbm>> -> memref<1x32xf32, #tpu.memory_space<hbm>>
      %dma_start3A_121 = tpu.memref_squeeze %dma_start3A_120 : memref<1x32xf32, #tpu.memory_space<hbm>> -> memref<32xf32, #tpu.memory_space<hbm>>
      %dma_start3A_122 = arith.constant 96 : i32
      %dma_start3A_123 = tpu.memref_slice %arg6[%add3A_115, %dma_start3A_122] : memref<256x128xf32, #tpu.memory_space<vmem>> -> memref<1x32xf32, #tpu.memory_space<vmem>>
      %dma_start3A_124 = tpu.memref_squeeze %dma_start3A_123 : memref<1x32xf32, #tpu.memory_space<vmem>> -> memref<32xf32, #tpu.memory_space<vmem>>
      %dma_start3A_125 = arith.constant 0 : i32
      %dma_start3A_126 = tpu.memref_slice %arg2[%squeeze3A_111, %dma_start3A_125] : memref<1000000x32xf32, #tpu.memory_space<hbm>> -> memref<1x32xf32, #tpu.memory_space<hbm>>
      %dma_start3A_127 = tpu.memref_squeeze %dma_start3A_126 : memref<1x32xf32, #tpu.memory_space<hbm>> -> memref<32xf32, #tpu.memory_space<hbm>>
      tpu.enqueue_dma source(%dma_start3A_127 : memref<32xf32, #tpu.memory_space<hbm>>) target(%dma_start3A_124 : memref<32xf32, #tpu.memory_space<vmem>>) target_semaphore(%arg8 : memref<!tpu.dma_semaphore, #tpu.memory_space<semaphore_mem>>)
      %slice3A_128 = vector.extract_strided_slice %get3A_58 {offsets = [4], sizes = [1], strides = [1]} : vector<16xi32> to vector<1xi32>
      %squeeze3A_129 = vector.extract %slice3A_128[0] : i32 from vector<1xi32>
      %mul3A_130 = arith.constant 4 : i32
      %mul3A_131 = arith.muli %scan3A_23, %mul3A_130 : i32
      %add3A_132 = arith.constant 1 : i32
      %add3A_133 = arith.addi %mul3A_131, %add3A_132 : i32
      %dma_start3A_134 = arith.constant 0 : i32
      %dma_start3A_135 = tpu.memref_slice %arg6[%add3A_133, %dma_start3A_134] : memref<256x128xf32, #tpu.memory_space<vmem>> -> memref<1x32xf32, #tpu.memory_space<vmem>>
      %dma_start3A_136 = tpu.memref_squeeze %dma_start3A_135 : memref<1x32xf32, #tpu.memory_space<vmem>> -> memref<32xf32, #tpu.memory_space<vmem>>
      %dma_start3A_137 = arith.constant 0 : i32
      %dma_start3A_138 = tpu.memref_slice %arg2[%squeeze3A_129, %dma_start3A_137] : memref<1000000x32xf32, #tpu.memory_space<hbm>> -> memref<1x32xf32, #tpu.memory_space<hbm>>
      %dma_start3A_139 = tpu.memref_squeeze %dma_start3A_138 : memref<1x32xf32, #tpu.memory_space<hbm>> -> memref<32xf32, #tpu.memory_space<hbm>>
      %dma_start3A_140 = arith.constant 0 : i32
      %dma_start3A_141 = tpu.memref_slice %arg6[%add3A_133, %dma_start3A_140] : memref<256x128xf32, #tpu.memory_space<vmem>> -> memref<1x32xf32, #tpu.memory_space<vmem>>
      %dma_start3A_142 = tpu.memref_squeeze %dma_start3A_141 : memref<1x32xf32, #tpu.memory_space<vmem>> -> memref<32xf32, #tpu.memory_space<vmem>>
      %dma_start3A_143 = arith.constant 0 : i32
      %dma_start3A_144 = tpu.memref_slice %arg2[%squeeze3A_129, %dma_start3A_143] : memref<1000000x32xf32, #tpu.memory_space<hbm>> -> memref<1x32xf32, #tpu.memory_space<hbm>>
      %dma_start3A_145 = tpu.memref_squeeze %dma_start3A_144 : memref<1x32xf32, #tpu.memory_space<hbm>> -> memref<32xf32, #tpu.memory_space<hbm>>
      tpu.enqueue_dma source(%dma_start3A_145 : memref<32xf32, #tpu.memory_space<hbm>>) target(%dma_start3A_142 : memref<32xf32, #tpu.memory_space<vmem>>) target_semaphore(%arg8 : memref<!tpu.dma_semaphore, #tpu.memory_space<semaphore_mem>>)
      %slice3A_146 = vector.extract_strided_slice %get3A_58 {offsets = [5], sizes = [1], strides = [1]} : vector<16xi32> to vector<1xi32>
      %squeeze3A_147 = vector.extract %slice3A_146[0] : i32 from vector<1xi32>
      %mul3A_148 = arith.constant 4 : i32
      %mul3A_149 = arith.muli %scan3A_23, %mul3A_148 : i32
      %add3A_150 = arith.constant 1 : i32
      %add3A_151 = arith.addi %mul3A_149, %add3A_150 : i32
      %dma_start3A_152 = arith.constant 32 : i32
      %dma_start3A_153 = tpu.memref_slice %arg6[%add3A_151, %dma_start3A_152] : memref<256x128xf32, #tpu.memory_space<vmem>> -> memref<1x32xf32, #tpu.memory_space<vmem>>
      %dma_start3A_154 = tpu.memref_squeeze %dma_start3A_153 : memref<1x32xf32, #tpu.memory_space<vmem>> -> memref<32xf32, #tpu.memory_space<vmem>>
      %dma_start3A_155 = arith.constant 0 : i32
      %dma_start3A_156 = tpu.memref_slice %arg2[%squeeze3A_147, %dma_start3A_155] : memref<1000000x32xf32, #tpu.memory_space<hbm>> -> memref<1x32xf32, #tpu.memory_space<hbm>>
      %dma_start3A_157 = tpu.memref_squeeze %dma_start3A_156 : memref<1x32xf32, #tpu.memory_space<hbm>> -> memref<32xf32, #tpu.memory_space<hbm>>
      %dma_start3A_158 = arith.constant 32 : i32
      %dma_start3A_159 = tpu.memref_slice %arg6[%add3A_151, %dma_start3A_158] : memref<256x128xf32, #tpu.memory_space<vmem>> -> memref<1x32xf32, #tpu.memory_space<vmem>>
      %dma_start3A_160 = tpu.memref_squeeze %dma_start3A_159 : memref<1x32xf32, #tpu.memory_space<vmem>> -> memref<32xf32, #tpu.memory_space<vmem>>
      %dma_start3A_161 = arith.constant 0 : i32
      %dma_start3A_162 = tpu.memref_slice %arg2[%squeeze3A_147, %dma_start3A_161] : memref<1000000x32xf32, #tpu.memory_space<hbm>> -> memref<1x32xf32, #tpu.memory_space<hbm>>
      %dma_start3A_163 = tpu.memref_squeeze %dma_start3A_162 : memref<1x32xf32, #tpu.memory_space<hbm>> -> memref<32xf32, #tpu.memory_space<hbm>>
      tpu.enqueue_dma source(%dma_start3A_163 : memref<32xf32, #tpu.memory_space<hbm>>) target(%dma_start3A_160 : memref<32xf32, #tpu.memory_space<vmem>>) target_semaphore(%arg8 : memref<!tpu.dma_semaphore, #tpu.memory_space<semaphore_mem>>)
      %slice3A_164 = vector.extract_strided_slice %get3A_58 {offsets = [6], sizes = [1], strides = [1]} : vector<16xi32> to vector<1xi32>
      %squeeze3A_165 = vector.extract %slice3A_164[0] : i32 from vector<1xi32>
      %mul3A_166 = arith.constant 4 : i32
      %mul3A_167 = arith.muli %scan3A_23, %mul3A_166 : i32
      %add3A_168 = arith.constant 1 : i32
      %add3A_169 = arith.addi %mul3A_167, %add3A_168 : i32
      %dma_start3A_170 = arith.constant 64 : i32
      %dma_start3A_171 = tpu.memref_slice %arg6[%add3A_169, %dma_start3A_170] : memref<256x128xf32, #tpu.memory_space<vmem>> -> memref<1x32xf32, #tpu.memory_space<vmem>>
      %dma_start3A_172 = tpu.memref_squeeze %dma_start3A_171 : memref<1x32xf32, #tpu.memory_space<vmem>> -> memref<32xf32, #tpu.memory_space<vmem>>
      %dma_start3A_173 = arith.constant 0 : i32
      %dma_start3A_174 = tpu.memref_slice %arg2[%squeeze3A_165, %dma_start3A_173] : memref<1000000x32xf32, #tpu.memory_space<hbm>> -> memref<1x32xf32, #tpu.memory_space<hbm>>
      %dma_start3A_175 = tpu.memref_squeeze %dma_start3A_174 : memref<1x32xf32, #tpu.memory_space<hbm>> -> memref<32xf32, #tpu.memory_space<hbm>>
      %dma_start3A_176 = arith.constant 64 : i32
      %dma_start3A_177 = tpu.memref_slice %arg6[%add3A_169, %dma_start3A_176] : memref<256x128xf32, #tpu.memory_space<vmem>> -> memref<1x32xf32, #tpu.memory_space<vmem>>
      %dma_start3A_178 = tpu.memref_squeeze %dma_start3A_177 : memref<1x32xf32, #tpu.memory_space<vmem>> -> memref<32xf32, #tpu.memory_space<vmem>>
      %dma_start3A_179 = arith.constant 0 : i32
      %dma_start3A_180 = tpu.memref_slice %arg2[%squeeze3A_165, %dma_start3A_179] : memref<1000000x32xf32, #tpu.memory_space<hbm>> -> memref<1x32xf32, #tpu.memory_space<hbm>>
      %dma_start3A_181 = tpu.memref_squeeze %dma_start3A_180 : memref<1x32xf32, #tpu.memory_space<hbm>> -> memref<32xf32, #tpu.memory_space<hbm>>
      tpu.enqueue_dma source(%dma_start3A_181 : memref<32xf32, #tpu.memory_space<hbm>>) target(%dma_start3A_178 : memref<32xf32, #tpu.memory_space<vmem>>) target_semaphore(%arg8 : memref<!tpu.dma_semaphore, #tpu.memory_space<semaphore_mem>>)
      %slice3A_182 = vector.extract_strided_slice %get3A_58 {offsets = [7], sizes = [1], strides = [1]} : vector<16xi32> to vector<1xi32>
      %squeeze3A_183 = vector.extract %slice3A_182[0] : i32 from vector<1xi32>
      %mul3A_184 = arith.constant 4 : i32
      %mul3A_185 = arith.muli %scan3A_23, %mul3A_184 : i32
      %add3A_186 = arith.constant 1 : i32
      %add3A_187 = arith.addi %mul3A_185, %add3A_186 : i32
      %dma_start3A_188 = arith.constant 96 : i32
      %dma_start3A_189 = tpu.memref_slice %arg6[%add3A_187, %dma_start3A_188] : memref<256x128xf32, #tpu.memory_space<vmem>> -> memref<1x32xf32, #tpu.memory_space<vmem>>
      %dma_start3A_190 = tpu.memref_squeeze %dma_start3A_189 : memref<1x32xf32, #tpu.memory_space<vmem>> -> memref<32xf32, #tpu.memory_space<vmem>>
      %dma_start3A_191 = arith.constant 0 : i32
      %dma_start3A_192 = tpu.memref_slice %arg2[%squeeze3A_183, %dma_start3A_191] : memref<1000000x32xf32, #tpu.memory_space<hbm>> -> memref<1x32xf32, #tpu.memory_space<hbm>>
      %dma_start3A_193 = tpu.memref_squeeze %dma_start3A_192 : memref<1x32xf32, #tpu.memory_space<hbm>> -> memref<32xf32, #tpu.memory_space<hbm>>
      %dma_start3A_194 = arith.constant 96 : i32
      %dma_start3A_195 = tpu.memref_slice %arg6[%add3A_187, %dma_start3A_194] : memref<256x128xf32, #tpu.memory_space<vmem>> -> memref<1x32xf32, #tpu.memory_space<vmem>>
      %dma_start3A_196 = tpu.memref_squeeze %dma_start3A_195 : memref<1x32xf32, #tpu.memory_space<vmem>> -> memref<32xf32, #tpu.memory_space<vmem>>
      %dma_start3A_197 = arith.constant 0 : i32
      %dma_start3A_198 = tpu.memref_slice %arg2[%squeeze3A_183, %dma_start3A_197] : memref<1000000x32xf32, #tpu.memory_space<hbm>> -> memref<1x32xf32, #tpu.memory_space<hbm>>
      %dma_start3A_199 = tpu.memref_squeeze %dma_start3A_198 : memref<1x32xf32, #tpu.memory_space<hbm>> -> memref<32xf32, #tpu.memory_space<hbm>>
      tpu.enqueue_dma source(%dma_start3A_199 : memref<32xf32, #tpu.memory_space<hbm>>) target(%dma_start3A_196 : memref<32xf32, #tpu.memory_space<vmem>>) target_semaphore(%arg8 : memref<!tpu.dma_semaphore, #tpu.memory_space<semaphore_mem>>)
      %slice3A_200 = vector.extract_strided_slice %get3A_58 {offsets = [8], sizes = [1], strides = [1]} : vector<16xi32> to vector<1xi32>
      %squeeze3A_201 = vector.extract %slice3A_200[0] : i32 from vector<1xi32>
      %mul3A_202 = arith.constant 4 : i32
      %mul3A_203 = arith.muli %scan3A_23, %mul3A_202 : i32
      %add3A_204 = arith.constant 2 : i32
      %add3A_205 = arith.addi %mul3A_203, %add3A_204 : i32
      %dma_start3A_206 = arith.constant 0 : i32
      %dma_start3A_207 = tpu.memref_slice %arg6[%add3A_205, %dma_start3A_206] : memref<256x128xf32, #tpu.memory_space<vmem>> -> memref<1x32xf32, #tpu.memory_space<vmem>>
      %dma_start3A_208 = tpu.memref_squeeze %dma_start3A_207 : memref<1x32xf32, #tpu.memory_space<vmem>> -> memref<32xf32, #tpu.memory_space<vmem>>
      %dma_start3A_209 = arith.constant 0 : i32
      %dma_start3A_210 = tpu.memref_slice %arg2[%squeeze3A_201, %dma_start3A_209] : memref<1000000x32xf32, #tpu.memory_space<hbm>> -> memref<1x32xf32, #tpu.memory_space<hbm>>
      %dma_start3A_211 = tpu.memref_squeeze %dma_start3A_210 : memref<1x32xf32, #tpu.memory_space<hbm>> -> memref<32xf32, #tpu.memory_space<hbm>>
      %dma_start3A_212 = arith.constant 0 : i32
      %dma_start3A_213 = tpu.memref_slice %arg6[%add3A_205, %dma_start3A_212] : memref<256x128xf32, #tpu.memory_space<vmem>> -> memref<1x32xf32, #tpu.memory_space<vmem>>
      %dma_start3A_214 = tpu.memref_squeeze %dma_start3A_213 : memref<1x32xf32, #tpu.memory_space<vmem>> -> memref<32xf32, #tpu.memory_space<vmem>>
      %dma_start3A_215 = arith.constant 0 : i32
      %dma_start3A_216 = tpu.memref_slice %arg2[%squeeze3A_201, %dma_start3A_215] : memref<1000000x32xf32, #tpu.memory_space<hbm>> -> memref<1x32xf32, #tpu.memory_space<hbm>>
      %dma_start3A_217 = tpu.memref_squeeze %dma_start3A_216 : memref<1x32xf32, #tpu.memory_space<hbm>> -> memref<32xf32, #tpu.memory_space<hbm>>
      tpu.enqueue_dma source(%dma_start3A_217 : memref<32xf32, #tpu.memory_space<hbm>>) target(%dma_start3A_214 : memref<32xf32, #tpu.memory_space<vmem>>) target_semaphore(%arg8 : memref<!tpu.dma_semaphore, #tpu.memory_space<semaphore_mem>>)
      %slice3A_218 = vector.extract_strided_slice %get3A_58 {offsets = [9], sizes = [1], strides = [1]} : vector<16xi32> to vector<1xi32>
      %squeeze3A_219 = vector.extract %slice3A_218[0] : i32 from vector<1xi32>
      %mul3A_220 = arith.constant 4 : i32
      %mul3A_221 = arith.muli %scan3A_23, %mul3A_220 : i32
      %add3A_222 = arith.constant 2 : i32
      %add3A_223 = arith.addi %mul3A_221, %add3A_222 : i32
      %dma_start3A_224 = arith.constant 32 : i32
      %dma_start3A_225 = tpu.memref_slice %arg6[%add3A_223, %dma_start3A_224] : memref<256x128xf32, #tpu.memory_space<vmem>> -> memref<1x32xf32, #tpu.memory_space<vmem>>
      %dma_start3A_226 = tpu.memref_squeeze %dma_start3A_225 : memref<1x32xf32, #tpu.memory_space<vmem>> -> memref<32xf32, #tpu.memory_space<vmem>>
      %dma_start3A_227 = arith.constant 0 : i32
      %dma_start3A_228 = tpu.memref_slice %arg2[%squeeze3A_219, %dma_start3A_227] : memref<1000000x32xf32, #tpu.memory_space<hbm>> -> memref<1x32xf32, #tpu.memory_space<hbm>>
      %dma_start3A_229 = tpu.memref_squeeze %dma_start3A_228 : memref<1x32xf32, #tpu.memory_space<hbm>> -> memref<32xf32, #tpu.memory_space<hbm>>
      %dma_start3A_230 = arith.constant 32 : i32
      %dma_start3A_231 = tpu.memref_slice %arg6[%add3A_223, %dma_start3A_230] : memref<256x128xf32, #tpu.memory_space<vmem>> -> memref<1x32xf32, #tpu.memory_space<vmem>>
      %dma_start3A_232 = tpu.memref_squeeze %dma_start3A_231 : memref<1x32xf32, #tpu.memory_space<vmem>> -> memref<32xf32, #tpu.memory_space<vmem>>
      %dma_start3A_233 = arith.constant 0 : i32
      %dma_start3A_234 = tpu.memref_slice %arg2[%squeeze3A_219, %dma_start3A_233] : memref<1000000x32xf32, #tpu.memory_space<hbm>> -> memref<1x32xf32, #tpu.memory_space<hbm>>
      %dma_start3A_235 = tpu.memref_squeeze %dma_start3A_234 : memref<1x32xf32, #tpu.memory_space<hbm>> -> memref<32xf32, #tpu.memory_space<hbm>>
      tpu.enqueue_dma source(%dma_start3A_235 : memref<32xf32, #tpu.memory_space<hbm>>) target(%dma_start3A_232 : memref<32xf32, #tpu.memory_space<vmem>>) target_semaphore(%arg8 : memref<!tpu.dma_semaphore, #tpu.memory_space<semaphore_mem>>)
      %slice3A_236 = vector.extract_strided_slice %get3A_58 {offsets = [10], sizes = [1], strides = [1]} : vector<16xi32> to vector<1xi32>
      %squeeze3A_237 = vector.extract %slice3A_236[0] : i32 from vector<1xi32>
      %mul3A_238 = arith.constant 4 : i32
      %mul3A_239 = arith.muli %scan3A_23, %mul3A_238 : i32
      %add3A_240 = arith.constant 2 : i32
      %add3A_241 = arith.addi %mul3A_239, %add3A_240 : i32
      %dma_start3A_242 = arith.constant 64 : i32
      %dma_start3A_243 = tpu.memref_slice %arg6[%add3A_241, %dma_start3A_242] : memref<256x128xf32, #tpu.memory_space<vmem>> -> memref<1x32xf32, #tpu.memory_space<vmem>>
      %dma_start3A_244 = tpu.memref_squeeze %dma_start3A_243 : memref<1x32xf32, #tpu.memory_space<vmem>> -> memref<32xf32, #tpu.memory_space<vmem>>
      %dma_start3A_245 = arith.constant 0 : i32
      %dma_start3A_246 = tpu.memref_slice %arg2[%squeeze3A_237, %dma_start3A_245] : memref<1000000x32xf32, #tpu.memory_space<hbm>> -> memref<1x32xf32, #tpu.memory_space<hbm>>
      %dma_start3A_247 = tpu.memref_squeeze %dma_start3A_246 : memref<1x32xf32, #tpu.memory_space<hbm>> -> memref<32xf32, #tpu.memory_space<hbm>>
      %dma_start3A_248 = arith.constant 64 : i32
      %dma_start3A_249 = tpu.memref_slice %arg6[%add3A_241, %dma_start3A_248] : memref<256x128xf32, #tpu.memory_space<vmem>> -> memref<1x32xf32, #tpu.memory_space<vmem>>
      %dma_start3A_250 = tpu.memref_squeeze %dma_start3A_249 : memref<1x32xf32, #tpu.memory_space<vmem>> -> memref<32xf32, #tpu.memory_space<vmem>>
      %dma_start3A_251 = arith.constant 0 : i32
      %dma_start3A_252 = tpu.memref_slice %arg2[%squeeze3A_237, %dma_start3A_251] : memref<1000000x32xf32, #tpu.memory_space<hbm>> -> memref<1x32xf32, #tpu.memory_space<hbm>>
      %dma_start3A_253 = tpu.memref_squeeze %dma_start3A_252 : memref<1x32xf32, #tpu.memory_space<hbm>> -> memref<32xf32, #tpu.memory_space<hbm>>
      tpu.enqueue_dma source(%dma_start3A_253 : memref<32xf32, #tpu.memory_space<hbm>>) target(%dma_start3A_250 : memref<32xf32, #tpu.memory_space<vmem>>) target_semaphore(%arg8 : memref<!tpu.dma_semaphore, #tpu.memory_space<semaphore_mem>>)
      %slice3A_254 = vector.extract_strided_slice %get3A_58 {offsets = [11], sizes = [1], strides = [1]} : vector<16xi32> to vector<1xi32>
      %squeeze3A_255 = vector.extract %slice3A_254[0] : i32 from vector<1xi32>
      %mul3A_256 = arith.constant 4 : i32
      %mul3A_257 = arith.muli %scan3A_23, %mul3A_256 : i32
      %add3A_258 = arith.constant 2 : i32
      %add3A_259 = arith.addi %mul3A_257, %add3A_258 : i32
      %dma_start3A_260 = arith.constant 96 : i32
      %dma_start3A_261 = tpu.memref_slice %arg6[%add3A_259, %dma_start3A_260] : memref<256x128xf32, #tpu.memory_space<vmem>> -> memref<1x32xf32, #tpu.memory_space<vmem>>
      %dma_start3A_262 = tpu.memref_squeeze %dma_start3A_261 : memref<1x32xf32, #tpu.memory_space<vmem>> -> memref<32xf32, #tpu.memory_space<vmem>>
      %dma_start3A_263 = arith.constant 0 : i32
      %dma_start3A_264 = tpu.memref_slice %arg2[%squeeze3A_255, %dma_start3A_263] : memref<1000000x32xf32, #tpu.memory_space<hbm>> -> memref<1x32xf32, #tpu.memory_space<hbm>>
      %dma_start3A_265 = tpu.memref_squeeze %dma_start3A_264 : memref<1x32xf32, #tpu.memory_space<hbm>> -> memref<32xf32, #tpu.memory_space<hbm>>
      %dma_start3A_266 = arith.constant 96 : i32
      %dma_start3A_267 = tpu.memref_slice %arg6[%add3A_259, %dma_start3A_266] : memref<256x128xf32, #tpu.memory_space<vmem>> -> memref<1x32xf32, #tpu.memory_space<vmem>>
      %dma_start3A_268 = tpu.memref_squeeze %dma_start3A_267 : memref<1x32xf32, #tpu.memory_space<vmem>> -> memref<32xf32, #tpu.memory_space<vmem>>
      %dma_start3A_269 = arith.constant 0 : i32
      %dma_start3A_270 = tpu.memref_slice %arg2[%squeeze3A_255, %dma_start3A_269] : memref<1000000x32xf32, #tpu.memory_space<hbm>> -> memref<1x32xf32, #tpu.memory_space<hbm>>
      %dma_start3A_271 = tpu.memref_squeeze %dma_start3A_270 : memref<1x32xf32, #tpu.memory_space<hbm>> -> memref<32xf32, #tpu.memory_space<hbm>>
      tpu.enqueue_dma source(%dma_start3A_271 : memref<32xf32, #tpu.memory_space<hbm>>) target(%dma_start3A_268 : memref<32xf32, #tpu.memory_space<vmem>>) target_semaphore(%arg8 : memref<!tpu.dma_semaphore, #tpu.memory_space<semaphore_mem>>)
      %slice3A_272 = vector.extract_strided_slice %get3A_58 {offsets = [12], sizes = [1], strides = [1]} : vector<16xi32> to vector<1xi32>
      %squeeze3A_273 = vector.extract %slice3A_272[0] : i32 from vector<1xi32>
      %mul3A_274 = arith.constant 4 : i32
      %mul3A_275 = arith.muli %scan3A_23, %mul3A_274 : i32
      %add3A_276 = arith.constant 3 : i32
      %add3A_277 = arith.addi %mul3A_275, %add3A_276 : i32
      %dma_start3A_278 = arith.constant 0 : i32
      %dma_start3A_279 = tpu.memref_slice %arg6[%add3A_277, %dma_start3A_278] : memref<256x128xf32, #tpu.memory_space<vmem>> -> memref<1x32xf32, #tpu.memory_space<vmem>>
      %dma_start3A_280 = tpu.memref_squeeze %dma_start3A_279 : memref<1x32xf32, #tpu.memory_space<vmem>> -> memref<32xf32, #tpu.memory_space<vmem>>
      %dma_start3A_281 = arith.constant 0 : i32
      %dma_start3A_282 = tpu.memref_slice %arg2[%squeeze3A_273, %dma_start3A_281] : memref<1000000x32xf32, #tpu.memory_space<hbm>> -> memref<1x32xf32, #tpu.memory_space<hbm>>
      %dma_start3A_283 = tpu.memref_squeeze %dma_start3A_282 : memref<1x32xf32, #tpu.memory_space<hbm>> -> memref<32xf32, #tpu.memory_space<hbm>>
      %dma_start3A_284 = arith.constant 0 : i32
      %dma_start3A_285 = tpu.memref_slice %arg6[%add3A_277, %dma_start3A_284] : memref<256x128xf32, #tpu.memory_space<vmem>> -> memref<1x32xf32, #tpu.memory_space<vmem>>
      %dma_start3A_286 = tpu.memref_squeeze %dma_start3A_285 : memref<1x32xf32, #tpu.memory_space<vmem>> -> memref<32xf32, #tpu.memory_space<vmem>>
      %dma_start3A_287 = arith.constant 0 : i32
      %dma_start3A_288 = tpu.memref_slice %arg2[%squeeze3A_273, %dma_start3A_287] : memref<1000000x32xf32, #tpu.memory_space<hbm>> -> memref<1x32xf32, #tpu.memory_space<hbm>>
      %dma_start3A_289 = tpu.memref_squeeze %dma_start3A_288 : memref<1x32xf32, #tpu.memory_space<hbm>> -> memref<32xf32, #tpu.memory_space<hbm>>
      tpu.enqueue_dma source(%dma_start3A_289 : memref<32xf32, #tpu.memory_space<hbm>>) target(%dma_start3A_286 : memref<32xf32, #tpu.memory_space<vmem>>) target_semaphore(%arg8 : memref<!tpu.dma_semaphore, #tpu.memory_space<semaphore_mem>>)
      %slice3A_290 = vector.extract_strided_slice %get3A_58 {offsets = [13], sizes = [1], strides = [1]} : vector<16xi32> to vector<1xi32>
      %squeeze3A_291 = vector.extract %slice3A_290[0] : i32 from vector<1xi32>
      %mul3A_292 = arith.constant 4 : i32
      %mul3A_293 = arith.muli %scan3A_23, %mul3A_292 : i32
      %add3A_294 = arith.constant 3 : i32
      %add3A_295 = arith.addi %mul3A_293, %add3A_294 : i32
      %dma_start3A_296 = arith.constant 32 : i32
      %dma_start3A_297 = tpu.memref_slice %arg6[%add3A_295, %dma_start3A_296] : memref<256x128xf32, #tpu.memory_space<vmem>> -> memref<1x32xf32, #tpu.memory_space<vmem>>
      %dma_start3A_298 = tpu.memref_squeeze %dma_start3A_297 : memref<1x32xf32, #tpu.memory_space<vmem>> -> memref<32xf32, #tpu.memory_space<vmem>>
      %dma_start3A_299 = arith.constant 0 : i32
      %dma_start3A_300 = tpu.memref_slice %arg2[%squeeze3A_291, %dma_start3A_299] : memref<1000000x32xf32, #tpu.memory_space<hbm>> -> memref<1x32xf32, #tpu.memory_space<hbm>>
      %dma_start3A_301 = tpu.memref_squeeze %dma_start3A_300 : memref<1x32xf32, #tpu.memory_space<hbm>> -> memref<32xf32, #tpu.memory_space<hbm>>
      %dma_start3A_302 = arith.constant 32 : i32
      %dma_start3A_303 = tpu.memref_slice %arg6[%add3A_295, %dma_start3A_302] : memref<256x128xf32, #tpu.memory_space<vmem>> -> memref<1x32xf32, #tpu.memory_space<vmem>>
      %dma_start3A_304 = tpu.memref_squeeze %dma_start3A_303 : memref<1x32xf32, #tpu.memory_space<vmem>> -> memref<32xf32, #tpu.memory_space<vmem>>
      %dma_start3A_305 = arith.constant 0 : i32
      %dma_start3A_306 = tpu.memref_slice %arg2[%squeeze3A_291, %dma_start3A_305] : memref<1000000x32xf32, #tpu.memory_space<hbm>> -> memref<1x32xf32, #tpu.memory_space<hbm>>
      %dma_start3A_307 = tpu.memref_squeeze %dma_start3A_306 : memref<1x32xf32, #tpu.memory_space<hbm>> -> memref<32xf32, #tpu.memory_space<hbm>>
      tpu.enqueue_dma source(%dma_start3A_307 : memref<32xf32, #tpu.memory_space<hbm>>) target(%dma_start3A_304 : memref<32xf32, #tpu.memory_space<vmem>>) target_semaphore(%arg8 : memref<!tpu.dma_semaphore, #tpu.memory_space<semaphore_mem>>)
      %slice3A_308 = vector.extract_strided_slice %get3A_58 {offsets = [14], sizes = [1], strides = [1]} : vector<16xi32> to vector<1xi32>
      %squeeze3A_309 = vector.extract %slice3A_308[0] : i32 from vector<1xi32>
      %mul3A_310 = arith.constant 4 : i32
      %mul3A_311 = arith.muli %scan3A_23, %mul3A_310 : i32
      %add3A_312 = arith.constant 3 : i32
      %add3A_313 = arith.addi %mul3A_311, %add3A_312 : i32
      %dma_start3A_314 = arith.constant 64 : i32
      %dma_start3A_315 = tpu.memref_slice %arg6[%add3A_313, %dma_start3A_314] : memref<256x128xf32, #tpu.memory_space<vmem>> -> memref<1x32xf32, #tpu.memory_space<vmem>>
      %dma_start3A_316 = tpu.memref_squeeze %dma_start3A_315 : memref<1x32xf32, #tpu.memory_space<vmem>> -> memref<32xf32, #tpu.memory_space<vmem>>
      %dma_start3A_317 = arith.constant 0 : i32
      %dma_start3A_318 = tpu.memref_slice %arg2[%squeeze3A_309, %dma_start3A_317] : memref<1000000x32xf32, #tpu.memory_space<hbm>> -> memref<1x32xf32, #tpu.memory_space<hbm>>
      %dma_start3A_319 = tpu.memref_squeeze %dma_start3A_318 : memref<1x32xf32, #tpu.memory_space<hbm>> -> memref<32xf32, #tpu.memory_space<hbm>>
      %dma_start3A_320 = arith.constant 64 : i32
      %dma_start3A_321 = tpu.memref_slice %arg6[%add3A_313, %dma_start3A_320] : memref<256x128xf32, #tpu.memory_space<vmem>> -> memref<1x32xf32, #tpu.memory_space<vmem>>
      %dma_start3A_322 = tpu.memref_squeeze %dma_start3A_321 : memref<1x32xf32, #tpu.memory_space<vmem>> -> memref<32xf32, #tpu.memory_space<vmem>>
      %dma_start3A_323 = arith.constant 0 : i32
      %dma_start3A_324 = tpu.memref_slice %arg2[%squeeze3A_309, %dma_start3A_323] : memref<1000000x32xf32, #tpu.memory_space<hbm>> -> memref<1x32xf32, #tpu.memory_space<hbm>>
      %dma_start3A_325 = tpu.memref_squeeze %dma_start3A_324 : memref<1x32xf32, #tpu.memory_space<hbm>> -> memref<32xf32, #tpu.memory_space<hbm>>
      tpu.enqueue_dma source(%dma_start3A_325 : memref<32xf32, #tpu.memory_space<hbm>>) target(%dma_start3A_322 : memref<32xf32, #tpu.memory_space<vmem>>) target_semaphore(%arg8 : memref<!tpu.dma_semaphore, #tpu.memory_space<semaphore_mem>>)
      %slice3A_326 = vector.extract_strided_slice %get3A_58 {offsets = [15], sizes = [1], strides = [1]} : vector<16xi32> to vector<1xi32>
      %squeeze3A_327 = vector.extract %slice3A_326[0] : i32 from vector<1xi32>
      %mul3A_328 = arith.constant 4 : i32
      %mul3A_329 = arith.muli %scan3A_23, %mul3A_328 : i32
      %add3A_330 = arith.constant 3 : i32
      %add3A_331 = arith.addi %mul3A_329, %add3A_330 : i32
      %dma_start3A_332 = arith.constant 96 : i32
      %dma_start3A_333 = tpu.memref_slice %arg6[%add3A_331, %dma_start3A_332] : memref<256x128xf32, #tpu.memory_space<vmem>> -> memref<1x32xf32, #tpu.memory_space<vmem>>
      %dma_start3A_334 = tpu.memref_squeeze %dma_start3A_333 : memref<1x32xf32, #tpu.memory_space<vmem>> -> memref<32xf32, #tpu.memory_space<vmem>>
      %dma_start3A_335 = arith.constant 0 : i32
      %dma_start3A_336 = tpu.memref_slice %arg2[%squeeze3A_327, %dma_start3A_335] : memref<1000000x32xf32, #tpu.memory_space<hbm>> -> memref<1x32xf32, #tpu.memory_space<hbm>>
      %dma_start3A_337 = tpu.memref_squeeze %dma_start3A_336 : memref<1x32xf32, #tpu.memory_space<hbm>> -> memref<32xf32, #tpu.memory_space<hbm>>
      %dma_start3A_338 = arith.constant 96 : i32
      %dma_start3A_339 = tpu.memref_slice %arg6[%add3A_331, %dma_start3A_338] : memref<256x128xf32, #tpu.memory_space<vmem>> -> memref<1x32xf32, #tpu.memory_space<vmem>>
      %dma_start3A_340 = tpu.memref_squeeze %dma_start3A_339 : memref<1x32xf32, #tpu.memory_space<vmem>> -> memref<32xf32, #tpu.memory_space<vmem>>
      %dma_start3A_341 = arith.constant 0 : i32
      %dma_start3A_342 = tpu.memref_slice %arg2[%squeeze3A_327, %dma_start3A_341] : memref<1000000x32xf32, #tpu.memory_space<hbm>> -> memref<1x32xf32, #tpu.memory_space<hbm>>
      %dma_start3A_343 = tpu.memref_squeeze %dma_start3A_342 : memref<1x32xf32, #tpu.memory_space<hbm>> -> memref<32xf32, #tpu.memory_space<hbm>>
      tpu.enqueue_dma source(%dma_start3A_343 : memref<32xf32, #tpu.memory_space<hbm>>) target(%dma_start3A_340 : memref<32xf32, #tpu.memory_space<vmem>>) target_semaphore(%arg8 : memref<!tpu.dma_semaphore, #tpu.memory_space<semaphore_mem>>)
      %scan3A_344 = arith.constant 0 : i32
      scf.yield %scan3A_344 : i32
    }
    %scan3A_6 = arith.constant 64 : i32
    %scan3A_7 = arith.constant 0 : i32
    %scan3A_8 = arith.constant 0 : i32
    %scan3A_9 = arith.constant 1024 : i32
    %scan3A_10 = arith.addi %scan3A_8, %scan3A_9 : i32
    %scan3A_11 = arith.constant 1 : i32
    %scan3A_12 = scf.for %scan3A_23 = %scan3A_8 to %scan3A_10 step %scan3A_11 iter_args(%scan3A_24 = %scan3A_7) -> (i32)  : i32 {
      %dma_wait3A = arith.constant 0 : i32
      %dma_wait3A_25 = arith.constant 0 : i32
      %dma_wait3A_26 = arith.constant 0 : i32
      %dma_wait3A_27 = tpu.memref_slice %arg6[%dma_wait3A_25, %dma_wait3A_26] : memref<256x128xf32, #tpu.memory_space<vmem>> -> memref<1x32xf32, #tpu.memory_space<vmem>>
      %dma_wait3A_28 = tpu.memref_squeeze %dma_wait3A_27 : memref<1x32xf32, #tpu.memory_space<vmem>> -> memref<32xf32, #tpu.memory_space<vmem>>
      %dma_wait3A_29 = arith.constant 0 : i32
      %dma_wait3A_30 = tpu.memref_slice %arg2[%dma_wait3A, %dma_wait3A_29] : memref<1000000x32xf32, #tpu.memory_space<hbm>> -> memref<1x32xf32, #tpu.memory_space<hbm>>
      %dma_wait3A_31 = tpu.memref_squeeze %dma_wait3A_30 : memref<1x32xf32, #tpu.memory_space<hbm>> -> memref<32xf32, #tpu.memory_space<hbm>>
      %dma_wait3A_32 = arith.constant 0 : i32
      %dma_wait3A_33 = tpu.memref_slice %arg6[%dma_wait3A_25, %dma_wait3A_32] : memref<256x128xf32, #tpu.memory_space<vmem>> -> memref<1x32xf32, #tpu.memory_space<vmem>>
      %dma_wait3A_34 = tpu.memref_squeeze %dma_wait3A_33 : memref<1x32xf32, #tpu.memory_space<vmem>> -> memref<32xf32, #tpu.memory_space<vmem>>
      %dma_wait3A_35 = arith.constant 0 : i32
      %dma_wait3A_36 = tpu.memref_slice %arg2[%dma_wait3A, %dma_wait3A_35] : memref<1000000x32xf32, #tpu.memory_space<hbm>> -> memref<1x32xf32, #tpu.memory_space<hbm>>
      %dma_wait3A_37 = tpu.memref_squeeze %dma_wait3A_36 : memref<1x32xf32, #tpu.memory_space<hbm>> -> memref<32xf32, #tpu.memory_space<hbm>>
      tpu.wait_dma2 semaphore(%arg8 : memref<!tpu.dma_semaphore, #tpu.memory_space<semaphore_mem>>) src(%dma_wait3A_37 : memref<32xf32, #tpu.memory_space<hbm>>) dst(%dma_wait3A_34 : memref<32xf32, #tpu.memory_space<vmem>>)
      %scan3A_38 = arith.constant 0 : i32
      scf.yield %scan3A_38 : i32
    }
    %scan3A_13 = arith.constant 1024 : i32
    %scan3A_14 = arith.constant 0 : i32
    %scan3A_15 = arith.constant 0 : i32
    %scan3A_16 = arith.constant 32 : i32
    %scan3A_17 = arith.addi %scan3A_15, %scan3A_16 : i32
    %scan3A_18 = arith.constant 1 : i32
    %scan3A_19 = scf.for %scan3A_23 = %scan3A_15 to %scan3A_17 step %scan3A_18 iter_args(%scan3A_24 = %scan3A_14) -> (i32)  : i32 {
      %iota3A = tpu.iota {dimensions = array<i32: 0>} : vector<16xi32>
      %eq3A = arith.constant 0 : i32
      %eq3A_25 = vector.broadcast %eq3A : i32 to vector<16xi32>
      %eq3A_26 = arith.cmpi eq, %iota3A, %eq3A_25 : vector<16xi32>
      %eq3A_27 = arith.constant 1 : i32
      %eq3A_28 = vector.broadcast %eq3A_27 : i32 to vector<16xi32>
      %eq3A_29 = arith.cmpi eq, %iota3A, %eq3A_28 : vector<16xi32>
      %eq3A_30 = arith.constant 2 : i32
      %eq3A_31 = vector.broadcast %eq3A_30 : i32 to vector<16xi32>
      %eq3A_32 = arith.cmpi eq, %iota3A, %eq3A_31 : vector<16xi32>
      %eq3A_33 = arith.constant 3 : i32
      %eq3A_34 = vector.broadcast %eq3A_33 : i32 to vector<16xi32>
      %eq3A_35 = arith.cmpi eq, %iota3A, %eq3A_34 : vector<16xi32>
      %eq3A_36 = arith.constant 4 : i32
      %eq3A_37 = vector.broadcast %eq3A_36 : i32 to vector<16xi32>
      %eq3A_38 = arith.cmpi eq, %iota3A, %eq3A_37 : vector<16xi32>
      %eq3A_39 = arith.constant 5 : i32
      %eq3A_40 = vector.broadcast %eq3A_39 : i32 to vector<16xi32>
      %eq3A_41 = arith.cmpi eq, %iota3A, %eq3A_40 : vector<16xi32>
      %eq3A_42 = arith.constant 6 : i32
      %eq3A_43 = vector.broadcast %eq3A_42 : i32 to vector<16xi32>
      %eq3A_44 = arith.cmpi eq, %iota3A, %eq3A_43 : vector<16xi32>
      %eq3A_45 = arith.constant 7 : i32
      %eq3A_46 = vector.broadcast %eq3A_45 : i32 to vector<16xi32>
      %eq3A_47 = arith.cmpi eq, %iota3A, %eq3A_46 : vector<16xi32>
      %eq3A_48 = arith.constant 8 : i32
      %eq3A_49 = vector.broadcast %eq3A_48 : i32 to vector<16xi32>
      %eq3A_50 = arith.cmpi eq, %iota3A, %eq3A_49 : vector<16xi32>
      %eq3A_51 = arith.constant 9 : i32
      %eq3A_52 = vector.broadcast %eq3A_51 : i32 to vector<16xi32>
      %eq3A_53 = arith.cmpi eq, %iota3A, %eq3A_52 : vector<16xi32>
      %eq3A_54 = arith.constant 10 : i32
      %eq3A_55 = vector.broadcast %eq3A_54 : i32 to vector<16xi32>
      %eq3A_56 = arith.cmpi eq, %iota3A, %eq3A_55 : vector<16xi32>
      %eq3A_57 = arith.constant 11 : i32
      %eq3A_58 = vector.broadcast %eq3A_57 : i32 to vector<16xi32>
      %eq3A_59 = arith.cmpi eq, %iota3A, %eq3A_58 : vector<16xi32>
      %eq3A_60 = arith.constant 12 : i32
      %eq3A_61 = vector.broadcast %eq3A_60 : i32 to vector<16xi32>
      %eq3A_62 = arith.cmpi eq, %iota3A, %eq3A_61 : vector<16xi32>
      %eq3A_63 = arith.constant 13 : i32
      %eq3A_64 = vector.broadcast %eq3A_63 : i32 to vector<16xi32>
      %eq3A_65 = arith.cmpi eq, %iota3A, %eq3A_64 : vector<16xi32>
      %eq3A_66 = arith.constant 14 : i32
      %eq3A_67 = vector.broadcast %eq3A_66 : i32 to vector<16xi32>
      %eq3A_68 = arith.cmpi eq, %iota3A, %eq3A_67 : vector<16xi32>
      %eq3A_69 = arith.constant 15 : i32
      %eq3A_70 = vector.broadcast %eq3A_69 : i32 to vector<16xi32>
      %eq3A_71 = arith.cmpi eq, %iota3A, %eq3A_70 : vector<16xi32>
      %broadcast_in_dim3A = arith.constant 0.000000e+00 : f32
      %broadcast_in_dim3A_72 = vector.broadcast %broadcast_in_dim3A : f32 to vector<16xf32>
      %broadcast_in_dim3A_73 = arith.constant 0.000000e+00 : f32
      %broadcast_in_dim3A_74 = vector.broadcast %broadcast_in_dim3A_73 : f32 to vector<16xf32>
      %broadcast_in_dim3A_75 = arith.constant 0.000000e+00 : f32
      %broadcast_in_dim3A_76 = vector.broadcast %broadcast_in_dim3A_75 : f32 to vector<16xf32>
      %mul3A_77 = arith.constant 8 : i32
      %mul3A_78 = arith.muli %scan3A_23, %mul3A_77 : i32
      %add3A_79 = arith.constant 0 : i32
      %add3A_80 = arith.addi %mul3A_78, %add3A_79 : i32
      %get3A = arith.index_cast %add3A_80 : i32 to index
      %get3A_81 = arith.constant 0 : index
      %get3A_82 = tpu.vector_load %arg6[%get3A, %get3A_81] {strides = array<i32>} : memref<256x128xf32, #tpu.memory_space<vmem>>, vector<16xf32>,
      %get3A_83 = arith.index_cast %add3A_80 : i32 to index
      %get3A_84 = arith.constant 16 : index
      %get3A_85 = tpu.vector_load %arg6[%get3A_83, %get3A_84] {strides = array<i32>} : memref<256x128xf32, #tpu.memory_space<vmem>>, vector<16xf32>,
      %get3A_86 = arith.index_cast %add3A_80 : i32 to index
      %get3A_87 = arith.constant 32 : index
      %get3A_88 = tpu.vector_load %arg6[%get3A_86, %get3A_87] {strides = array<i32>} : memref<256x128xf32, #tpu.memory_space<vmem>>, vector<16xf32>,
      %get3A_89 = arith.index_cast %add3A_80 : i32 to index
      %get3A_90 = arith.constant 48 : index
      %get3A_91 = tpu.vector_load %arg6[%get3A_89, %get3A_90] {strides = array<i32>} : memref<256x128xf32, #tpu.memory_space<vmem>>, vector<16xf32>,
      %mul3A_92 = arith.mulf %get3A_82, %get3A_88 : vector<16xf32>
      %mul3A_93 = arith.mulf %get3A_85, %get3A_91 : vector<16xf32>
      %add3A_94 = arith.addf %mul3A_92, %mul3A_93 : vector<16xf32>
      %reduce_sum3A = arith.constant true
      %reduce_sum3A_95 = vector.broadcast %reduce_sum3A : i1 to vector<16xi1>
      %reduce_sum3A_96 = tpu.scan <sum>, %add3A_94 masked %reduce_sum3A_95 : vector<16xf32>, vector<16xi1> -> vector<16xf32>
      %reduce_sum3A_97 = vector.extract %reduce_sum3A_96[15] : f32 from vector<16xf32>
      %broadcast_in_dim3A_98 = vector.broadcast %reduce_sum3A_97 : f32 to vector<16xf32>
      %select_n3A = arith.select %eq3A_26, %broadcast_in_dim3A_98, %broadcast_in_dim3A_72 : vector<16xi1>, vector<16xf32>
      %mul3A_99 = arith.mulf %get3A_82, %get3A_82 : vector<16xf32>
      %mul3A_100 = arith.mulf %get3A_85, %get3A_85 : vector<16xf32>
      %add3A_101 = arith.addf %mul3A_99, %mul3A_100 : vector<16xf32>
      %reduce_sum3A_102 = arith.constant true
      %reduce_sum3A_103 = vector.broadcast %reduce_sum3A_102 : i1 to vector<16xi1>
      %reduce_sum3A_104 = tpu.scan <sum>, %add3A_101 masked %reduce_sum3A_103 : vector<16xf32>, vector<16xi1> -> vector<16xf32>
      %reduce_sum3A_105 = vector.extract %reduce_sum3A_104[15] : f32 from vector<16xf32>
      %broadcast_in_dim3A_106 = vector.broadcast %reduce_sum3A_105 : f32 to vector<16xf32>
      %select_n3A_107 = arith.select %eq3A_26, %broadcast_in_dim3A_106, %broadcast_in_dim3A_74 : vector<16xi1>, vector<16xf32>
      %mul3A_108 = arith.mulf %get3A_88, %get3A_88 : vector<16xf32>
      %mul3A_109 = arith.mulf %get3A_91, %get3A_91 : vector<16xf32>
      %add3A_110 = arith.addf %mul3A_108, %mul3A_109 : vector<16xf32>
      %reduce_sum3A_111 = arith.constant true
      %reduce_sum3A_112 = vector.broadcast %reduce_sum3A_111 : i1 to vector<16xi1>
      %reduce_sum3A_113 = tpu.scan <sum>, %add3A_110 masked %reduce_sum3A_112 : vector<16xf32>, vector<16xi1> -> vector<16xf32>
      %reduce_sum3A_114 = vector.extract %reduce_sum3A_113[15] : f32 from vector<16xf32>
      %broadcast_in_dim3A_115 = vector.broadcast %reduce_sum3A_114 : f32 to vector<16xf32>
      %select_n3A_116 = arith.select %eq3A_26, %broadcast_in_dim3A_115, %broadcast_in_dim3A_76 : vector<16xi1>, vector<16xf32>
      %mul3A_117 = arith.constant 8 : i32
      %mul3A_118 = arith.muli %scan3A_23, %mul3A_117 : i32
      %add3A_119 = arith.constant 0 : i32
      %add3A_120 = arith.addi %mul3A_118, %add3A_119 : i32
      %get3A_121 = arith.index_cast %add3A_120 : i32 to index
      %get3A_122 = arith.constant 64 : index
      %get3A_123 = tpu.vector_load %arg6[%get3A_121, %get3A_122] {strides = array<i32>} : memref<256x128xf32, #tpu.memory_space<vmem>>, vector<16xf32>,
      %get3A_124 = arith.index_cast %add3A_120 : i32 to index
      %get3A_125 = arith.constant 80 : index
      %get3A_126 = tpu.vector_load %arg6[%get3A_124, %get3A_125] {strides = array<i32>} : memref<256x128xf32, #tpu.memory_space<vmem>>, vector<16xf32>,
      %get3A_127 = arith.index_cast %add3A_120 : i32 to index
      %get3A_128 = arith.constant 96 : index
      %get3A_129 = tpu.vector_load %arg6[%get3A_127, %get3A_128] {strides = array<i32>} : memref<256x128xf32, #tpu.memory_space<vmem>>, vector<16xf32>,
      %get3A_130 = arith.index_cast %add3A_120 : i32 to index
      %get3A_131 = arith.constant 112 : index
      %get3A_132 = tpu.vector_load %arg6[%get3A_130, %get3A_131] {strides = array<i32>} : memref<256x128xf32, #tpu.memory_space<vmem>>, vector<16xf32>,
      %mul3A_133 = arith.mulf %get3A_123, %get3A_129 : vector<16xf32>
      %mul3A_134 = arith.mulf %get3A_126, %get3A_132 : vector<16xf32>
      %add3A_135 = arith.addf %mul3A_133, %mul3A_134 : vector<16xf32>
      %reduce_sum3A_136 = arith.constant true
      %reduce_sum3A_137 = vector.broadcast %reduce_sum3A_136 : i1 to vector<16xi1>
      %reduce_sum3A_138 = tpu.scan <sum>, %add3A_135 masked %reduce_sum3A_137 : vector<16xf32>, vector<16xi1> -> vector<16xf32>
      %reduce_sum3A_139 = vector.extract %reduce_sum3A_138[15] : f32 from vector<16xf32>
      %broadcast_in_dim3A_140 = vector.broadcast %reduce_sum3A_139 : f32 to vector<16xf32>
      %select_n3A_141 = arith.select %eq3A_29, %broadcast_in_dim3A_140, %select_n3A : vector<16xi1>, vector<16xf32>
      %mul3A_142 = arith.mulf %get3A_123, %get3A_123 : vector<16xf32>
      %mul3A_143 = arith.mulf %get3A_126, %get3A_126 : vector<16xf32>
      %add3A_144 = arith.addf %mul3A_142, %mul3A_143 : vector<16xf32>
      %reduce_sum3A_145 = arith.constant true
      %reduce_sum3A_146 = vector.broadcast %reduce_sum3A_145 : i1 to vector<16xi1>
      %reduce_sum3A_147 = tpu.scan <sum>, %add3A_144 masked %reduce_sum3A_146 : vector<16xf32>, vector<16xi1> -> vector<16xf32>
      %reduce_sum3A_148 = vector.extract %reduce_sum3A_147[15] : f32 from vector<16xf32>
      %broadcast_in_dim3A_149 = vector.broadcast %reduce_sum3A_148 : f32 to vector<16xf32>
      %select_n3A_150 = arith.select %eq3A_29, %broadcast_in_dim3A_149, %select_n3A_107 : vector<16xi1>, vector<16xf32>
      %mul3A_151 = arith.mulf %get3A_129, %get3A_129 : vector<16xf32>
      %mul3A_152 = arith.mulf %get3A_132, %get3A_132 : vector<16xf32>
      %add3A_153 = arith.addf %mul3A_151, %mul3A_152 : vector<16xf32>
      %reduce_sum3A_154 = arith.constant true
      %reduce_sum3A_155 = vector.broadcast %reduce_sum3A_154 : i1 to vector<16xi1>
      %reduce_sum3A_156 = tpu.scan <sum>, %add3A_153 masked %reduce_sum3A_155 : vector<16xf32>, vector<16xi1> -> vector<16xf32>
      %reduce_sum3A_157 = vector.extract %reduce_sum3A_156[15] : f32 from vector<16xf32>
      %broadcast_in_dim3A_158 = vector.broadcast %reduce_sum3A_157 : f32 to vector<16xf32>
      %select_n3A_159 = arith.select %eq3A_29, %broadcast_in_dim3A_158, %select_n3A_116 : vector<16xi1>, vector<16xf32>
      %mul3A_160 = arith.constant 8 : i32
      %mul3A_161 = arith.muli %scan3A_23, %mul3A_160 : i32
      %add3A_162 = arith.constant 1 : i32
      %add3A_163 = arith.addi %mul3A_161, %add3A_162 : i32
      %get3A_164 = arith.index_cast %add3A_163 : i32 to index
      %get3A_165 = arith.constant 0 : index
      %get3A_166 = tpu.vector_load %arg6[%get3A_164, %get3A_165] {strides = array<i32>} : memref<256x128xf32, #tpu.memory_space<vmem>>, vector<16xf32>,
      %get3A_167 = arith.index_cast %add3A_163 : i32 to index
      %get3A_168 = arith.constant 16 : index
      %get3A_169 = tpu.vector_load %arg6[%get3A_167, %get3A_168] {strides = array<i32>} : memref<256x128xf32, #tpu.memory_space<vmem>>, vector<16xf32>,
      %get3A_170 = arith.index_cast %add3A_163 : i32 to index
      %get3A_171 = arith.constant 32 : index
      %get3A_172 = tpu.vector_load %arg6[%get3A_170, %get3A_171] {strides = array<i32>} : memref<256x128xf32, #tpu.memory_space<vmem>>, vector<16xf32>,
      %get3A_173 = arith.index_cast %add3A_163 : i32 to index
      %get3A_174 = arith.constant 48 : index
      %get3A_175 = tpu.vector_load %arg6[%get3A_173, %get3A_174] {strides = array<i32>} : memref<256x128xf32, #tpu.memory_space<vmem>>, vector<16xf32>,
      %mul3A_176 = arith.mulf %get3A_166, %get3A_172 : vector<16xf32>
      %mul3A_177 = arith.mulf %get3A_169, %get3A_175 : vector<16xf32>
      %add3A_178 = arith.addf %mul3A_176, %mul3A_177 : vector<16xf32>
      %reduce_sum3A_179 = arith.constant true
      %reduce_sum3A_180 = vector.broadcast %reduce_sum3A_179 : i1 to vector<16xi1>
      %reduce_sum3A_181 = tpu.scan <sum>, %add3A_178 masked %reduce_sum3A_180 : vector<16xf32>, vector<16xi1> -> vector<16xf32>
      %reduce_sum3A_182 = vector.extract %reduce_sum3A_181[15] : f32 from vector<16xf32>
      %broadcast_in_dim3A_183 = vector.broadcast %reduce_sum3A_182 : f32 to vector<16xf32>
      %select_n3A_184 = arith.select %eq3A_32, %broadcast_in_dim3A_183, %select_n3A_141 : vector<16xi1>, vector<16xf32>
      %mul3A_185 = arith.mulf %get3A_166, %get3A_166 : vector<16xf32>
      %mul3A_186 = arith.mulf %get3A_169, %get3A_169 : vector<16xf32>
      %add3A_187 = arith.addf %mul3A_185, %mul3A_186 : vector<16xf32>
      %reduce_sum3A_188 = arith.constant true
      %reduce_sum3A_189 = vector.broadcast %reduce_sum3A_188 : i1 to vector<16xi1>
      %reduce_sum3A_190 = tpu.scan <sum>, %add3A_187 masked %reduce_sum3A_189 : vector<16xf32>, vector<16xi1> -> vector<16xf32>
      %reduce_sum3A_191 = vector.extract %reduce_sum3A_190[15] : f32 from vector<16xf32>
      %broadcast_in_dim3A_192 = vector.broadcast %reduce_sum3A_191 : f32 to vector<16xf32>
      %select_n3A_193 = arith.select %eq3A_32, %broadcast_in_dim3A_192, %select_n3A_150 : vector<16xi1>, vector<16xf32>
      %mul3A_194 = arith.mulf %get3A_172, %get3A_172 : vector<16xf32>
      %mul3A_195 = arith.mulf %get3A_175, %get3A_175 : vector<16xf32>
      %add3A_196 = arith.addf %mul3A_194, %mul3A_195 : vector<16xf32>
      %reduce_sum3A_197 = arith.constant true
      %reduce_sum3A_198 = vector.broadcast %reduce_sum3A_197 : i1 to vector<16xi1>
      %reduce_sum3A_199 = tpu.scan <sum>, %add3A_196 masked %reduce_sum3A_198 : vector<16xf32>, vector<16xi1> -> vector<16xf32>
      %reduce_sum3A_200 = vector.extract %reduce_sum3A_199[15] : f32 from vector<16xf32>
      %broadcast_in_dim3A_201 = vector.broadcast %reduce_sum3A_200 : f32 to vector<16xf32>
      %select_n3A_202 = arith.select %eq3A_32, %broadcast_in_dim3A_201, %select_n3A_159 : vector<16xi1>, vector<16xf32>
      %mul3A_203 = arith.constant 8 : i32
      %mul3A_204 = arith.muli %scan3A_23, %mul3A_203 : i32
      %add3A_205 = arith.constant 1 : i32
      %add3A_206 = arith.addi %mul3A_204, %add3A_205 : i32
      %get3A_207 = arith.index_cast %add3A_206 : i32 to index
      %get3A_208 = arith.constant 64 : index
      %get3A_209 = tpu.vector_load %arg6[%get3A_207, %get3A_208] {strides = array<i32>} : memref<256x128xf32, #tpu.memory_space<vmem>>, vector<16xf32>,
      %get3A_210 = arith.index_cast %add3A_206 : i32 to index
      %get3A_211 = arith.constant 80 : index
      %get3A_212 = tpu.vector_load %arg6[%get3A_210, %get3A_211] {strides = array<i32>} : memref<256x128xf32, #tpu.memory_space<vmem>>, vector<16xf32>,
      %get3A_213 = arith.index_cast %add3A_206 : i32 to index
      %get3A_214 = arith.constant 96 : index
      %get3A_215 = tpu.vector_load %arg6[%get3A_213, %get3A_214] {strides = array<i32>} : memref<256x128xf32, #tpu.memory_space<vmem>>, vector<16xf32>,
      %get3A_216 = arith.index_cast %add3A_206 : i32 to index
      %get3A_217 = arith.constant 112 : index
      %get3A_218 = tpu.vector_load %arg6[%get3A_216, %get3A_217] {strides = array<i32>} : memref<256x128xf32, #tpu.memory_space<vmem>>, vector<16xf32>,
      %mul3A_219 = arith.mulf %get3A_209, %get3A_215 : vector<16xf32>
      %mul3A_220 = arith.mulf %get3A_212, %get3A_218 : vector<16xf32>
      %add3A_221 = arith.addf %mul3A_219, %mul3A_220 : vector<16xf32>
      %reduce_sum3A_222 = arith.constant true
      %reduce_sum3A_223 = vector.broadcast %reduce_sum3A_222 : i1 to vector<16xi1>
      %reduce_sum3A_224 = tpu.scan <sum>, %add3A_221 masked %reduce_sum3A_223 : vector<16xf32>, vector<16xi1> -> vector<16xf32>
      %reduce_sum3A_225 = vector.extract %reduce_sum3A_224[15] : f32 from vector<16xf32>
      %broadcast_in_dim3A_226 = vector.broadcast %reduce_sum3A_225 : f32 to vector<16xf32>
      %select_n3A_227 = arith.select %eq3A_35, %broadcast_in_dim3A_226, %select_n3A_184 : vector<16xi1>, vector<16xf32>
      %mul3A_228 = arith.mulf %get3A_209, %get3A_209 : vector<16xf32>
      %mul3A_229 = arith.mulf %get3A_212, %get3A_212 : vector<16xf32>
      %add3A_230 = arith.addf %mul3A_228, %mul3A_229 : vector<16xf32>
      %reduce_sum3A_231 = arith.constant true
      %reduce_sum3A_232 = vector.broadcast %reduce_sum3A_231 : i1 to vector<16xi1>
      %reduce_sum3A_233 = tpu.scan <sum>, %add3A_230 masked %reduce_sum3A_232 : vector<16xf32>, vector<16xi1> -> vector<16xf32>
      %reduce_sum3A_234 = vector.extract %reduce_sum3A_233[15] : f32 from vector<16xf32>
      %broadcast_in_dim3A_235 = vector.broadcast %reduce_sum3A_234 : f32 to vector<16xf32>
      %select_n3A_236 = arith.select %eq3A_35, %broadcast_in_dim3A_235, %select_n3A_193 : vector<16xi1>, vector<16xf32>
      %mul3A_237 = arith.mulf %get3A_215, %get3A_215 : vector<16xf32>
      %mul3A_238 = arith.mulf %get3A_218, %get3A_218 : vector<16xf32>
      %add3A_239 = arith.addf %mul3A_237, %mul3A_238 : vector<16xf32>
      %reduce_sum3A_240 = arith.constant true
      %reduce_sum3A_241 = vector.broadcast %reduce_sum3A_240 : i1 to vector<16xi1>
      %reduce_sum3A_242 = tpu.scan <sum>, %add3A_239 masked %reduce_sum3A_241 : vector<16xf32>, vector<16xi1> -> vector<16xf32>
      %reduce_sum3A_243 = vector.extract %reduce_sum3A_242[15] : f32 from vector<16xf32>
      %broadcast_in_dim3A_244 = vector.broadcast %reduce_sum3A_243 : f32 to vector<16xf32>
      %select_n3A_245 = arith.select %eq3A_35, %broadcast_in_dim3A_244, %select_n3A_202 : vector<16xi1>, vector<16xf32>
      %mul3A_246 = arith.constant 8 : i32
      %mul3A_247 = arith.muli %scan3A_23, %mul3A_246 : i32
      %add3A_248 = arith.constant 2 : i32
      %add3A_249 = arith.addi %mul3A_247, %add3A_248 : i32
      %get3A_250 = arith.index_cast %add3A_249 : i32 to index
      %get3A_251 = arith.constant 0 : index
      %get3A_252 = tpu.vector_load %arg6[%get3A_250, %get3A_251] {strides = array<i32>} : memref<256x128xf32, #tpu.memory_space<vmem>>, vector<16xf32>,
      %get3A_253 = arith.index_cast %add3A_249 : i32 to index
      %get3A_254 = arith.constant 16 : index
      %get3A_255 = tpu.vector_load %arg6[%get3A_253, %get3A_254] {strides = array<i32>} : memref<256x128xf32, #tpu.memory_space<vmem>>, vector<16xf32>,
      %get3A_256 = arith.index_cast %add3A_249 : i32 to index
      %get3A_257 = arith.constant 32 : index
      %get3A_258 = tpu.vector_load %arg6[%get3A_256, %get3A_257] {strides = array<i32>} : memref<256x128xf32, #tpu.memory_space<vmem>>, vector<16xf32>,
      %get3A_259 = arith.index_cast %add3A_249 : i32 to index
      %get3A_260 = arith.constant 48 : index
      %get3A_261 = tpu.vector_load %arg6[%get3A_259, %get3A_260] {strides = array<i32>} : memref<256x128xf32, #tpu.memory_space<vmem>>, vector<16xf32>,
      %mul3A_262 = arith.mulf %get3A_252, %get3A_258 : vector<16xf32>
      %mul3A_263 = arith.mulf %get3A_255, %get3A_261 : vector<16xf32>
      %add3A_264 = arith.addf %mul3A_262, %mul3A_263 : vector<16xf32>
      %reduce_sum3A_265 = arith.constant true
      %reduce_sum3A_266 = vector.broadcast %reduce_sum3A_265 : i1 to vector<16xi1>
      %reduce_sum3A_267 = tpu.scan <sum>, %add3A_264 masked %reduce_sum3A_266 : vector<16xf32>, vector<16xi1> -> vector<16xf32>
      %reduce_sum3A_268 = vector.extract %reduce_sum3A_267[15] : f32 from vector<16xf32>
      %broadcast_in_dim3A_269 = vector.broadcast %reduce_sum3A_268 : f32 to vector<16xf32>
      %select_n3A_270 = arith.select %eq3A_38, %broadcast_in_dim3A_269, %select_n3A_227 : vector<16xi1>, vector<16xf32>
      %mul3A_271 = arith.mulf %get3A_252, %get3A_252 : vector<16xf32>
      %mul3A_272 = arith.mulf %get3A_255, %get3A_255 : vector<16xf32>
      %add3A_273 = arith.addf %mul3A_271, %mul3A_272 : vector<16xf32>
      %reduce_sum3A_274 = arith.constant true
      %reduce_sum3A_275 = vector.broadcast %reduce_sum3A_274 : i1 to vector<16xi1>
      %reduce_sum3A_276 = tpu.scan <sum>, %add3A_273 masked %reduce_sum3A_275 : vector<16xf32>, vector<16xi1> -> vector<16xf32>
      %reduce_sum3A_277 = vector.extract %reduce_sum3A_276[15] : f32 from vector<16xf32>
      %broadcast_in_dim3A_278 = vector.broadcast %reduce_sum3A_277 : f32 to vector<16xf32>
      %select_n3A_279 = arith.select %eq3A_38, %broadcast_in_dim3A_278, %select_n3A_236 : vector<16xi1>, vector<16xf32>
      %mul3A_280 = arith.mulf %get3A_258, %get3A_258 : vector<16xf32>
      %mul3A_281 = arith.mulf %get3A_261, %get3A_261 : vector<16xf32>
      %add3A_282 = arith.addf %mul3A_280, %mul3A_281 : vector<16xf32>
      %reduce_sum3A_283 = arith.constant true
      %reduce_sum3A_284 = vector.broadcast %reduce_sum3A_283 : i1 to vector<16xi1>
      %reduce_sum3A_285 = tpu.scan <sum>, %add3A_282 masked %reduce_sum3A_284 : vector<16xf32>, vector<16xi1> -> vector<16xf32>
      %reduce_sum3A_286 = vector.extract %reduce_sum3A_285[15] : f32 from vector<16xf32>
      %broadcast_in_dim3A_287 = vector.broadcast %reduce_sum3A_286 : f32 to vector<16xf32>
      %select_n3A_288 = arith.select %eq3A_38, %broadcast_in_dim3A_287, %select_n3A_245 : vector<16xi1>, vector<16xf32>
      %mul3A_289 = arith.constant 8 : i32
      %mul3A_290 = arith.muli %scan3A_23, %mul3A_289 : i32
      %add3A_291 = arith.constant 2 : i32
      %add3A_292 = arith.addi %mul3A_290, %add3A_291 : i32
      %get3A_293 = arith.index_cast %add3A_292 : i32 to index
      %get3A_294 = arith.constant 64 : index
      %get3A_295 = tpu.vector_load %arg6[%get3A_293, %get3A_294] {strides = array<i32>} : memref<256x128xf32, #tpu.memory_space<vmem>>, vector<16xf32>,
      %get3A_296 = arith.index_cast %add3A_292 : i32 to index
      %get3A_297 = arith.constant 80 : index
      %get3A_298 = tpu.vector_load %arg6[%get3A_296, %get3A_297] {strides = array<i32>} : memref<256x128xf32, #tpu.memory_space<vmem>>, vector<16xf32>,
      %get3A_299 = arith.index_cast %add3A_292 : i32 to index
      %get3A_300 = arith.constant 96 : index
      %get3A_301 = tpu.vector_load %arg6[%get3A_299, %get3A_300] {strides = array<i32>} : memref<256x128xf32, #tpu.memory_space<vmem>>, vector<16xf32>,
      %get3A_302 = arith.index_cast %add3A_292 : i32 to index
      %get3A_303 = arith.constant 112 : index
      %get3A_304 = tpu.vector_load %arg6[%get3A_302, %get3A_303] {strides = array<i32>} : memref<256x128xf32, #tpu.memory_space<vmem>>, vector<16xf32>,
      %mul3A_305 = arith.mulf %get3A_295, %get3A_301 : vector<16xf32>
      %mul3A_306 = arith.mulf %get3A_298, %get3A_304 : vector<16xf32>
      %add3A_307 = arith.addf %mul3A_305, %mul3A_306 : vector<16xf32>
      %reduce_sum3A_308 = arith.constant true
      %reduce_sum3A_309 = vector.broadcast %reduce_sum3A_308 : i1 to vector<16xi1>
      %reduce_sum3A_310 = tpu.scan <sum>, %add3A_307 masked %reduce_sum3A_309 : vector<16xf32>, vector<16xi1> -> vector<16xf32>
      %reduce_sum3A_311 = vector.extract %reduce_sum3A_310[15] : f32 from vector<16xf32>
      %broadcast_in_dim3A_312 = vector.broadcast %reduce_sum3A_311 : f32 to vector<16xf32>
      %select_n3A_313 = arith.select %eq3A_41, %broadcast_in_dim3A_312, %select_n3A_270 : vector<16xi1>, vector<16xf32>
      %mul3A_314 = arith.mulf %get3A_295, %get3A_295 : vector<16xf32>
      %mul3A_315 = arith.mulf %get3A_298, %get3A_298 : vector<16xf32>
      %add3A_316 = arith.addf %mul3A_314, %mul3A_315 : vector<16xf32>
      %reduce_sum3A_317 = arith.constant true
      %reduce_sum3A_318 = vector.broadcast %reduce_sum3A_317 : i1 to vector<16xi1>
      %reduce_sum3A_319 = tpu.scan <sum>, %add3A_316 masked %reduce_sum3A_318 : vector<16xf32>, vector<16xi1> -> vector<16xf32>
      %reduce_sum3A_320 = vector.extract %reduce_sum3A_319[15] : f32 from vector<16xf32>
      %broadcast_in_dim3A_321 = vector.broadcast %reduce_sum3A_320 : f32 to vector<16xf32>
      %select_n3A_322 = arith.select %eq3A_41, %broadcast_in_dim3A_321, %select_n3A_279 : vector<16xi1>, vector<16xf32>
      %mul3A_323 = arith.mulf %get3A_301, %get3A_301 : vector<16xf32>
      %mul3A_324 = arith.mulf %get3A_304, %get3A_304 : vector<16xf32>
      %add3A_325 = arith.addf %mul3A_323, %mul3A_324 : vector<16xf32>
      %reduce_sum3A_326 = arith.constant true
      %reduce_sum3A_327 = vector.broadcast %reduce_sum3A_326 : i1 to vector<16xi1>
      %reduce_sum3A_328 = tpu.scan <sum>, %add3A_325 masked %reduce_sum3A_327 : vector<16xf32>, vector<16xi1> -> vector<16xf32>
      %reduce_sum3A_329 = vector.extract %reduce_sum3A_328[15] : f32 from vector<16xf32>
      %broadcast_in_dim3A_330 = vector.broadcast %reduce_sum3A_329 : f32 to vector<16xf32>
      %select_n3A_331 = arith.select %eq3A_41, %broadcast_in_dim3A_330, %select_n3A_288 : vector<16xi1>, vector<16xf32>
      %mul3A_332 = arith.constant 8 : i32
      %mul3A_333 = arith.muli %scan3A_23, %mul3A_332 : i32
      %add3A_334 = arith.constant 3 : i32
      %add3A_335 = arith.addi %mul3A_333, %add3A_334 : i32
      %get3A_336 = arith.index_cast %add3A_335 : i32 to index
      %get3A_337 = arith.constant 0 : index
      %get3A_338 = tpu.vector_load %arg6[%get3A_336, %get3A_337] {strides = array<i32>} : memref<256x128xf32, #tpu.memory_space<vmem>>, vector<16xf32>,
      %get3A_339 = arith.index_cast %add3A_335 : i32 to index
      %get3A_340 = arith.constant 16 : index
      %get3A_341 = tpu.vector_load %arg6[%get3A_339, %get3A_340] {strides = array<i32>} : memref<256x128xf32, #tpu.memory_space<vmem>>, vector<16xf32>,
      %get3A_342 = arith.index_cast %add3A_335 : i32 to index
      %get3A_343 = arith.constant 32 : index
      %get3A_344 = tpu.vector_load %arg6[%get3A_342, %get3A_343] {strides = array<i32>} : memref<256x128xf32, #tpu.memory_space<vmem>>, vector<16xf32>,
      %get3A_345 = arith.index_cast %add3A_335 : i32 to index
      %get3A_346 = arith.constant 48 : index
      %get3A_347 = tpu.vector_load %arg6[%get3A_345, %get3A_346] {strides = array<i32>} : memref<256x128xf32, #tpu.memory_space<vmem>>, vector<16xf32>,
      %mul3A_348 = arith.mulf %get3A_338, %get3A_344 : vector<16xf32>
      %mul3A_349 = arith.mulf %get3A_341, %get3A_347 : vector<16xf32>
      %add3A_350 = arith.addf %mul3A_348, %mul3A_349 : vector<16xf32>
      %reduce_sum3A_351 = arith.constant true
      %reduce_sum3A_352 = vector.broadcast %reduce_sum3A_351 : i1 to vector<16xi1>
      %reduce_sum3A_353 = tpu.scan <sum>, %add3A_350 masked %reduce_sum3A_352 : vector<16xf32>, vector<16xi1> -> vector<16xf32>
      %reduce_sum3A_354 = vector.extract %reduce_sum3A_353[15] : f32 from vector<16xf32>
      %broadcast_in_dim3A_355 = vector.broadcast %reduce_sum3A_354 : f32 to vector<16xf32>
      %select_n3A_356 = arith.select %eq3A_44, %broadcast_in_dim3A_355, %select_n3A_313 : vector<16xi1>, vector<16xf32>
      %mul3A_357 = arith.mulf %get3A_338, %get3A_338 : vector<16xf32>
      %mul3A_358 = arith.mulf %get3A_341, %get3A_341 : vector<16xf32>
      %add3A_359 = arith.addf %mul3A_357, %mul3A_358 : vector<16xf32>
      %reduce_sum3A_360 = arith.constant true
      %reduce_sum3A_361 = vector.broadcast %reduce_sum3A_360 : i1 to vector<16xi1>
      %reduce_sum3A_362 = tpu.scan <sum>, %add3A_359 masked %reduce_sum3A_361 : vector<16xf32>, vector<16xi1> -> vector<16xf32>
      %reduce_sum3A_363 = vector.extract %reduce_sum3A_362[15] : f32 from vector<16xf32>
      %broadcast_in_dim3A_364 = vector.broadcast %reduce_sum3A_363 : f32 to vector<16xf32>
      %select_n3A_365 = arith.select %eq3A_44, %broadcast_in_dim3A_364, %select_n3A_322 : vector<16xi1>, vector<16xf32>
      %mul3A_366 = arith.mulf %get3A_344, %get3A_344 : vector<16xf32>
      %mul3A_367 = arith.mulf %get3A_347, %get3A_347 : vector<16xf32>
      %add3A_368 = arith.addf %mul3A_366, %mul3A_367 : vector<16xf32>
      %reduce_sum3A_369 = arith.constant true
      %reduce_sum3A_370 = vector.broadcast %reduce_sum3A_369 : i1 to vector<16xi1>
      %reduce_sum3A_371 = tpu.scan <sum>, %add3A_368 masked %reduce_sum3A_370 : vector<16xf32>, vector<16xi1> -> vector<16xf32>
      %reduce_sum3A_372 = vector.extract %reduce_sum3A_371[15] : f32 from vector<16xf32>
      %broadcast_in_dim3A_373 = vector.broadcast %reduce_sum3A_372 : f32 to vector<16xf32>
      %select_n3A_374 = arith.select %eq3A_44, %broadcast_in_dim3A_373, %select_n3A_331 : vector<16xi1>, vector<16xf32>
      %mul3A_375 = arith.constant 8 : i32
      %mul3A_376 = arith.muli %scan3A_23, %mul3A_375 : i32
      %add3A_377 = arith.constant 3 : i32
      %add3A_378 = arith.addi %mul3A_376, %add3A_377 : i32
      %get3A_379 = arith.index_cast %add3A_378 : i32 to index
      %get3A_380 = arith.constant 64 : index
      %get3A_381 = tpu.vector_load %arg6[%get3A_379, %get3A_380] {strides = array<i32>} : memref<256x128xf32, #tpu.memory_space<vmem>>, vector<16xf32>,
      %get3A_382 = arith.index_cast %add3A_378 : i32 to index
      %get3A_383 = arith.constant 80 : index
      %get3A_384 = tpu.vector_load %arg6[%get3A_382, %get3A_383] {strides = array<i32>} : memref<256x128xf32, #tpu.memory_space<vmem>>, vector<16xf32>,
      %get3A_385 = arith.index_cast %add3A_378 : i32 to index
      %get3A_386 = arith.constant 96 : index
      %get3A_387 = tpu.vector_load %arg6[%get3A_385, %get3A_386] {strides = array<i32>} : memref<256x128xf32, #tpu.memory_space<vmem>>, vector<16xf32>,
      %get3A_388 = arith.index_cast %add3A_378 : i32 to index
      %get3A_389 = arith.constant 112 : index
      %get3A_390 = tpu.vector_load %arg6[%get3A_388, %get3A_389] {strides = array<i32>} : memref<256x128xf32, #tpu.memory_space<vmem>>, vector<16xf32>,
      %mul3A_391 = arith.mulf %get3A_381, %get3A_387 : vector<16xf32>
      %mul3A_392 = arith.mulf %get3A_384, %get3A_390 : vector<16xf32>
      %add3A_393 = arith.addf %mul3A_391, %mul3A_392 : vector<16xf32>
      %reduce_sum3A_394 = arith.constant true
      %reduce_sum3A_395 = vector.broadcast %reduce_sum3A_394 : i1 to vector<16xi1>
      %reduce_sum3A_396 = tpu.scan <sum>, %add3A_393 masked %reduce_sum3A_395 : vector<16xf32>, vector<16xi1> -> vector<16xf32>
      %reduce_sum3A_397 = vector.extract %reduce_sum3A_396[15] : f32 from vector<16xf32>
      %broadcast_in_dim3A_398 = vector.broadcast %reduce_sum3A_397 : f32 to vector<16xf32>
      %select_n3A_399 = arith.select %eq3A_47, %broadcast_in_dim3A_398, %select_n3A_356 : vector<16xi1>, vector<16xf32>
      %mul3A_400 = arith.mulf %get3A_381, %get3A_381 : vector<16xf32>
      %mul3A_401 = arith.mulf %get3A_384, %get3A_384 : vector<16xf32>
      %add3A_402 = arith.addf %mul3A_400, %mul3A_401 : vector<16xf32>
      %reduce_sum3A_403 = arith.constant true
      %reduce_sum3A_404 = vector.broadcast %reduce_sum3A_403 : i1 to vector<16xi1>
      %reduce_sum3A_405 = tpu.scan <sum>, %add3A_402 masked %reduce_sum3A_404 : vector<16xf32>, vector<16xi1> -> vector<16xf32>
      %reduce_sum3A_406 = vector.extract %reduce_sum3A_405[15] : f32 from vector<16xf32>
      %broadcast_in_dim3A_407 = vector.broadcast %reduce_sum3A_406 : f32 to vector<16xf32>
      %select_n3A_408 = arith.select %eq3A_47, %broadcast_in_dim3A_407, %select_n3A_365 : vector<16xi1>, vector<16xf32>
      %mul3A_409 = arith.mulf %get3A_387, %get3A_387 : vector<16xf32>
      %mul3A_410 = arith.mulf %get3A_390, %get3A_390 : vector<16xf32>
      %add3A_411 = arith.addf %mul3A_409, %mul3A_410 : vector<16xf32>
      %reduce_sum3A_412 = arith.constant true
      %reduce_sum3A_413 = vector.broadcast %reduce_sum3A_412 : i1 to vector<16xi1>
      %reduce_sum3A_414 = tpu.scan <sum>, %add3A_411 masked %reduce_sum3A_413 : vector<16xf32>, vector<16xi1> -> vector<16xf32>
      %reduce_sum3A_415 = vector.extract %reduce_sum3A_414[15] : f32 from vector<16xf32>
      %broadcast_in_dim3A_416 = vector.broadcast %reduce_sum3A_415 : f32 to vector<16xf32>
      %select_n3A_417 = arith.select %eq3A_47, %broadcast_in_dim3A_416, %select_n3A_374 : vector<16xi1>, vector<16xf32>
      %mul3A_418 = arith.constant 8 : i32
      %mul3A_419 = arith.muli %scan3A_23, %mul3A_418 : i32
      %add3A_420 = arith.constant 4 : i32
      %add3A_421 = arith.addi %mul3A_419, %add3A_420 : i32
      %get3A_422 = arith.index_cast %add3A_421 : i32 to index
      %get3A_423 = arith.constant 0 : index
      %get3A_424 = tpu.vector_load %arg6[%get3A_422, %get3A_423] {strides = array<i32>} : memref<256x128xf32, #tpu.memory_space<vmem>>, vector<16xf32>,
      %get3A_425 = arith.index_cast %add3A_421 : i32 to index
      %get3A_426 = arith.constant 16 : index
      %get3A_427 = tpu.vector_load %arg6[%get3A_425, %get3A_426] {strides = array<i32>} : memref<256x128xf32, #tpu.memory_space<vmem>>, vector<16xf32>,
      %get3A_428 = arith.index_cast %add3A_421 : i32 to index
      %get3A_429 = arith.constant 32 : index
      %get3A_430 = tpu.vector_load %arg6[%get3A_428, %get3A_429] {strides = array<i32>} : memref<256x128xf32, #tpu.memory_space<vmem>>, vector<16xf32>,
      %get3A_431 = arith.index_cast %add3A_421 : i32 to index
      %get3A_432 = arith.constant 48 : index
      %get3A_433 = tpu.vector_load %arg6[%get3A_431, %get3A_432] {strides = array<i32>} : memref<256x128xf32, #tpu.memory_space<vmem>>, vector<16xf32>,
      %mul3A_434 = arith.mulf %get3A_424, %get3A_430 : vector<16xf32>
      %mul3A_435 = arith.mulf %get3A_427, %get3A_433 : vector<16xf32>
      %add3A_436 = arith.addf %mul3A_434, %mul3A_435 : vector<16xf32>
      %reduce_sum3A_437 = arith.constant true
      %reduce_sum3A_438 = vector.broadcast %reduce_sum3A_437 : i1 to vector<16xi1>
      %reduce_sum3A_439 = tpu.scan <sum>, %add3A_436 masked %reduce_sum3A_438 : vector<16xf32>, vector<16xi1> -> vector<16xf32>
      %reduce_sum3A_440 = vector.extract %reduce_sum3A_439[15] : f32 from vector<16xf32>
      %broadcast_in_dim3A_441 = vector.broadcast %reduce_sum3A_440 : f32 to vector<16xf32>
      %select_n3A_442 = arith.select %eq3A_50, %broadcast_in_dim3A_441, %select_n3A_399 : vector<16xi1>, vector<16xf32>
      %mul3A_443 = arith.mulf %get3A_424, %get3A_424 : vector<16xf32>
      %mul3A_444 = arith.mulf %get3A_427, %get3A_427 : vector<16xf32>
      %add3A_445 = arith.addf %mul3A_443, %mul3A_444 : vector<16xf32>
      %reduce_sum3A_446 = arith.constant true
      %reduce_sum3A_447 = vector.broadcast %reduce_sum3A_446 : i1 to vector<16xi1>
      %reduce_sum3A_448 = tpu.scan <sum>, %add3A_445 masked %reduce_sum3A_447 : vector<16xf32>, vector<16xi1> -> vector<16xf32>
      %reduce_sum3A_449 = vector.extract %reduce_sum3A_448[15] : f32 from vector<16xf32>
      %broadcast_in_dim3A_450 = vector.broadcast %reduce_sum3A_449 : f32 to vector<16xf32>
      %select_n3A_451 = arith.select %eq3A_50, %broadcast_in_dim3A_450, %select_n3A_408 : vector<16xi1>, vector<16xf32>
      %mul3A_452 = arith.mulf %get3A_430, %get3A_430 : vector<16xf32>
      %mul3A_453 = arith.mulf %get3A_433, %get3A_433 : vector<16xf32>
      %add3A_454 = arith.addf %mul3A_452, %mul3A_453 : vector<16xf32>
      %reduce_sum3A_455 = arith.constant true
      %reduce_sum3A_456 = vector.broadcast %reduce_sum3A_455 : i1 to vector<16xi1>
      %reduce_sum3A_457 = tpu.scan <sum>, %add3A_454 masked %reduce_sum3A_456 : vector<16xf32>, vector<16xi1> -> vector<16xf32>
      %reduce_sum3A_458 = vector.extract %reduce_sum3A_457[15] : f32 from vector<16xf32>
      %broadcast_in_dim3A_459 = vector.broadcast %reduce_sum3A_458 : f32 to vector<16xf32>
      %select_n3A_460 = arith.select %eq3A_50, %broadcast_in_dim3A_459, %select_n3A_417 : vector<16xi1>, vector<16xf32>
      %mul3A_461 = arith.constant 8 : i32
      %mul3A_462 = arith.muli %scan3A_23, %mul3A_461 : i32
      %add3A_463 = arith.constant 4 : i32
      %add3A_464 = arith.addi %mul3A_462, %add3A_463 : i32
      %get3A_465 = arith.index_cast %add3A_464 : i32 to index
      %get3A_466 = arith.constant 64 : index
      %get3A_467 = tpu.vector_load %arg6[%get3A_465, %get3A_466] {strides = array<i32>} : memref<256x128xf32, #tpu.memory_space<vmem>>, vector<16xf32>,
      %get3A_468 = arith.index_cast %add3A_464 : i32 to index
      %get3A_469 = arith.constant 80 : index
      %get3A_470 = tpu.vector_load %arg6[%get3A_468, %get3A_469] {strides = array<i32>} : memref<256x128xf32, #tpu.memory_space<vmem>>, vector<16xf32>,
      %get3A_471 = arith.index_cast %add3A_464 : i32 to index
      %get3A_472 = arith.constant 96 : index
      %get3A_473 = tpu.vector_load %arg6[%get3A_471, %get3A_472] {strides = array<i32>} : memref<256x128xf32, #tpu.memory_space<vmem>>, vector<16xf32>,
      %get3A_474 = arith.index_cast %add3A_464 : i32 to index
      %get3A_475 = arith.constant 112 : index
      %get3A_476 = tpu.vector_load %arg6[%get3A_474, %get3A_475] {strides = array<i32>} : memref<256x128xf32, #tpu.memory_space<vmem>>, vector<16xf32>,
      %mul3A_477 = arith.mulf %get3A_467, %get3A_473 : vector<16xf32>
      %mul3A_478 = arith.mulf %get3A_470, %get3A_476 : vector<16xf32>
      %add3A_479 = arith.addf %mul3A_477, %mul3A_478 : vector<16xf32>
      %reduce_sum3A_480 = arith.constant true
      %reduce_sum3A_481 = vector.broadcast %reduce_sum3A_480 : i1 to vector<16xi1>
      %reduce_sum3A_482 = tpu.scan <sum>, %add3A_479 masked %reduce_sum3A_481 : vector<16xf32>, vector<16xi1> -> vector<16xf32>
      %reduce_sum3A_483 = vector.extract %reduce_sum3A_482[15] : f32 from vector<16xf32>
      %broadcast_in_dim3A_484 = vector.broadcast %reduce_sum3A_483 : f32 to vector<16xf32>
      %select_n3A_485 = arith.select %eq3A_53, %broadcast_in_dim3A_484, %select_n3A_442 : vector<16xi1>, vector<16xf32>
      %mul3A_486 = arith.mulf %get3A_467, %get3A_467 : vector<16xf32>
      %mul3A_487 = arith.mulf %get3A_470, %get3A_470 : vector<16xf32>
      %add3A_488 = arith.addf %mul3A_486, %mul3A_487 : vector<16xf32>
      %reduce_sum3A_489 = arith.constant true
      %reduce_sum3A_490 = vector.broadcast %reduce_sum3A_489 : i1 to vector<16xi1>
      %reduce_sum3A_491 = tpu.scan <sum>, %add3A_488 masked %reduce_sum3A_490 : vector<16xf32>, vector<16xi1> -> vector<16xf32>
      %reduce_sum3A_492 = vector.extract %reduce_sum3A_491[15] : f32 from vector<16xf32>
      %broadcast_in_dim3A_493 = vector.broadcast %reduce_sum3A_492 : f32 to vector<16xf32>
      %select_n3A_494 = arith.select %eq3A_53, %broadcast_in_dim3A_493, %select_n3A_451 : vector<16xi1>, vector<16xf32>
      %mul3A_495 = arith.mulf %get3A_473, %get3A_473 : vector<16xf32>
      %mul3A_496 = arith.mulf %get3A_476, %get3A_476 : vector<16xf32>
      %add3A_497 = arith.addf %mul3A_495, %mul3A_496 : vector<16xf32>
      %reduce_sum3A_498 = arith.constant true
      %reduce_sum3A_499 = vector.broadcast %reduce_sum3A_498 : i1 to vector<16xi1>
      %reduce_sum3A_500 = tpu.scan <sum>, %add3A_497 masked %reduce_sum3A_499 : vector<16xf32>, vector<16xi1> -> vector<16xf32>
      %reduce_sum3A_501 = vector.extract %reduce_sum3A_500[15] : f32 from vector<16xf32>
      %broadcast_in_dim3A_502 = vector.broadcast %reduce_sum3A_501 : f32 to vector<16xf32>
      %select_n3A_503 = arith.select %eq3A_53, %broadcast_in_dim3A_502, %select_n3A_460 : vector<16xi1>, vector<16xf32>
      %mul3A_504 = arith.constant 8 : i32
      %mul3A_505 = arith.muli %scan3A_23, %mul3A_504 : i32
      %add3A_506 = arith.constant 5 : i32
      %add3A_507 = arith.addi %mul3A_505, %add3A_506 : i32
      %get3A_508 = arith.index_cast %add3A_507 : i32 to index
      %get3A_509 = arith.constant 0 : index
      %get3A_510 = tpu.vector_load %arg6[%get3A_508, %get3A_509] {strides = array<i32>} : memref<256x128xf32, #tpu.memory_space<vmem>>, vector<16xf32>,
      %get3A_511 = arith.index_cast %add3A_507 : i32 to index
      %get3A_512 = arith.constant 16 : index
      %get3A_513 = tpu.vector_load %arg6[%get3A_511, %get3A_512] {strides = array<i32>} : memref<256x128xf32, #tpu.memory_space<vmem>>, vector<16xf32>,
      %get3A_514 = arith.index_cast %add3A_507 : i32 to index
      %get3A_515 = arith.constant 32 : index
      %get3A_516 = tpu.vector_load %arg6[%get3A_514, %get3A_515] {strides = array<i32>} : memref<256x128xf32, #tpu.memory_space<vmem>>, vector<16xf32>,
      %get3A_517 = arith.index_cast %add3A_507 : i32 to index
      %get3A_518 = arith.constant 48 : index
      %get3A_519 = tpu.vector_load %arg6[%get3A_517, %get3A_518] {strides = array<i32>} : memref<256x128xf32, #tpu.memory_space<vmem>>, vector<16xf32>,
      %mul3A_520 = arith.mulf %get3A_510, %get3A_516 : vector<16xf32>
      %mul3A_521 = arith.mulf %get3A_513, %get3A_519 : vector<16xf32>
      %add3A_522 = arith.addf %mul3A_520, %mul3A_521 : vector<16xf32>
      %reduce_sum3A_523 = arith.constant true
      %reduce_sum3A_524 = vector.broadcast %reduce_sum3A_523 : i1 to vector<16xi1>
      %reduce_sum3A_525 = tpu.scan <sum>, %add3A_522 masked %reduce_sum3A_524 : vector<16xf32>, vector<16xi1> -> vector<16xf32>
      %reduce_sum3A_526 = vector.extract %reduce_sum3A_525[15] : f32 from vector<16xf32>
      %broadcast_in_dim3A_527 = vector.broadcast %reduce_sum3A_526 : f32 to vector<16xf32>
      %select_n3A_528 = arith.select %eq3A_56, %broadcast_in_dim3A_527, %select_n3A_485 : vector<16xi1>, vector<16xf32>
      %mul3A_529 = arith.mulf %get3A_510, %get3A_510 : vector<16xf32>
      %mul3A_530 = arith.mulf %get3A_513, %get3A_513 : vector<16xf32>
      %add3A_531 = arith.addf %mul3A_529, %mul3A_530 : vector<16xf32>
      %reduce_sum3A_532 = arith.constant true
      %reduce_sum3A_533 = vector.broadcast %reduce_sum3A_532 : i1 to vector<16xi1>
      %reduce_sum3A_534 = tpu.scan <sum>, %add3A_531 masked %reduce_sum3A_533 : vector<16xf32>, vector<16xi1> -> vector<16xf32>
      %reduce_sum3A_535 = vector.extract %reduce_sum3A_534[15] : f32 from vector<16xf32>
      %broadcast_in_dim3A_536 = vector.broadcast %reduce_sum3A_535 : f32 to vector<16xf32>
      %select_n3A_537 = arith.select %eq3A_56, %broadcast_in_dim3A_536, %select_n3A_494 : vector<16xi1>, vector<16xf32>
      %mul3A_538 = arith.mulf %get3A_516, %get3A_516 : vector<16xf32>
      %mul3A_539 = arith.mulf %get3A_519, %get3A_519 : vector<16xf32>
      %add3A_540 = arith.addf %mul3A_538, %mul3A_539 : vector<16xf32>
      %reduce_sum3A_541 = arith.constant true
      %reduce_sum3A_542 = vector.broadcast %reduce_sum3A_541 : i1 to vector<16xi1>
      %reduce_sum3A_543 = tpu.scan <sum>, %add3A_540 masked %reduce_sum3A_542 : vector<16xf32>, vector<16xi1> -> vector<16xf32>
      %reduce_sum3A_544 = vector.extract %reduce_sum3A_543[15] : f32 from vector<16xf32>
      %broadcast_in_dim3A_545 = vector.broadcast %reduce_sum3A_544 : f32 to vector<16xf32>
      %select_n3A_546 = arith.select %eq3A_56, %broadcast_in_dim3A_545, %select_n3A_503 : vector<16xi1>, vector<16xf32>
      %mul3A_547 = arith.constant 8 : i32
      %mul3A_548 = arith.muli %scan3A_23, %mul3A_547 : i32
      %add3A_549 = arith.constant 5 : i32
      %add3A_550 = arith.addi %mul3A_548, %add3A_549 : i32
      %get3A_551 = arith.index_cast %add3A_550 : i32 to index
      %get3A_552 = arith.constant 64 : index
      %get3A_553 = tpu.vector_load %arg6[%get3A_551, %get3A_552] {strides = array<i32>} : memref<256x128xf32, #tpu.memory_space<vmem>>, vector<16xf32>,
      %get3A_554 = arith.index_cast %add3A_550 : i32 to index
      %get3A_555 = arith.constant 80 : index
      %get3A_556 = tpu.vector_load %arg6[%get3A_554, %get3A_555] {strides = array<i32>} : memref<256x128xf32, #tpu.memory_space<vmem>>, vector<16xf32>,
      %get3A_557 = arith.index_cast %add3A_550 : i32 to index
      %get3A_558 = arith.constant 96 : index
      %get3A_559 = tpu.vector_load %arg6[%get3A_557, %get3A_558] {strides = array<i32>} : memref<256x128xf32, #tpu.memory_space<vmem>>, vector<16xf32>,
      %get3A_560 = arith.index_cast %add3A_550 : i32 to index
      %get3A_561 = arith.constant 112 : index
      %get3A_562 = tpu.vector_load %arg6[%get3A_560, %get3A_561] {strides = array<i32>} : memref<256x128xf32, #tpu.memory_space<vmem>>, vector<16xf32>,
      %mul3A_563 = arith.mulf %get3A_553, %get3A_559 : vector<16xf32>
      %mul3A_564 = arith.mulf %get3A_556, %get3A_562 : vector<16xf32>
      %add3A_565 = arith.addf %mul3A_563, %mul3A_564 : vector<16xf32>
      %reduce_sum3A_566 = arith.constant true
      %reduce_sum3A_567 = vector.broadcast %reduce_sum3A_566 : i1 to vector<16xi1>
      %reduce_sum3A_568 = tpu.scan <sum>, %add3A_565 masked %reduce_sum3A_567 : vector<16xf32>, vector<16xi1> -> vector<16xf32>
      %reduce_sum3A_569 = vector.extract %reduce_sum3A_568[15] : f32 from vector<16xf32>
      %broadcast_in_dim3A_570 = vector.broadcast %reduce_sum3A_569 : f32 to vector<16xf32>
      %select_n3A_571 = arith.select %eq3A_59, %broadcast_in_dim3A_570, %select_n3A_528 : vector<16xi1>, vector<16xf32>
      %mul3A_572 = arith.mulf %get3A_553, %get3A_553 : vector<16xf32>
      %mul3A_573 = arith.mulf %get3A_556, %get3A_556 : vector<16xf32>
      %add3A_574 = arith.addf %mul3A_572, %mul3A_573 : vector<16xf32>
      %reduce_sum3A_575 = arith.constant true
      %reduce_sum3A_576 = vector.broadcast %reduce_sum3A_575 : i1 to vector<16xi1>
      %reduce_sum3A_577 = tpu.scan <sum>, %add3A_574 masked %reduce_sum3A_576 : vector<16xf32>, vector<16xi1> -> vector<16xf32>
      %reduce_sum3A_578 = vector.extract %reduce_sum3A_577[15] : f32 from vector<16xf32>
      %broadcast_in_dim3A_579 = vector.broadcast %reduce_sum3A_578 : f32 to vector<16xf32>
      %select_n3A_580 = arith.select %eq3A_59, %broadcast_in_dim3A_579, %select_n3A_537 : vector<16xi1>, vector<16xf32>
      %mul3A_581 = arith.mulf %get3A_559, %get3A_559 : vector<16xf32>
      %mul3A_582 = arith.mulf %get3A_562, %get3A_562 : vector<16xf32>
      %add3A_583 = arith.addf %mul3A_581, %mul3A_582 : vector<16xf32>
      %reduce_sum3A_584 = arith.constant true
      %reduce_sum3A_585 = vector.broadcast %reduce_sum3A_584 : i1 to vector<16xi1>
      %reduce_sum3A_586 = tpu.scan <sum>, %add3A_583 masked %reduce_sum3A_585 : vector<16xf32>, vector<16xi1> -> vector<16xf32>
      %reduce_sum3A_587 = vector.extract %reduce_sum3A_586[15] : f32 from vector<16xf32>
      %broadcast_in_dim3A_588 = vector.broadcast %reduce_sum3A_587 : f32 to vector<16xf32>
      %select_n3A_589 = arith.select %eq3A_59, %broadcast_in_dim3A_588, %select_n3A_546 : vector<16xi1>, vector<16xf32>
      %mul3A_590 = arith.constant 8 : i32
      %mul3A_591 = arith.muli %scan3A_23, %mul3A_590 : i32
      %add3A_592 = arith.constant 6 : i32
      %add3A_593 = arith.addi %mul3A_591, %add3A_592 : i32
      %get3A_594 = arith.index_cast %add3A_593 : i32 to index
      %get3A_595 = arith.constant 0 : index
      %get3A_596 = tpu.vector_load %arg6[%get3A_594, %get3A_595] {strides = array<i32>} : memref<256x128xf32, #tpu.memory_space<vmem>>, vector<16xf32>,
      %get3A_597 = arith.index_cast %add3A_593 : i32 to index
      %get3A_598 = arith.constant 16 : index
      %get3A_599 = tpu.vector_load %arg6[%get3A_597, %get3A_598] {strides = array<i32>} : memref<256x128xf32, #tpu.memory_space<vmem>>, vector<16xf32>,
      %get3A_600 = arith.index_cast %add3A_593 : i32 to index
      %get3A_601 = arith.constant 32 : index
      %get3A_602 = tpu.vector_load %arg6[%get3A_600, %get3A_601] {strides = array<i32>} : memref<256x128xf32, #tpu.memory_space<vmem>>, vector<16xf32>,
      %get3A_603 = arith.index_cast %add3A_593 : i32 to index
      %get3A_604 = arith.constant 48 : index
      %get3A_605 = tpu.vector_load %arg6[%get3A_603, %get3A_604] {strides = array<i32>} : memref<256x128xf32, #tpu.memory_space<vmem>>, vector<16xf32>,
      %mul3A_606 = arith.mulf %get3A_596, %get3A_602 : vector<16xf32>
      %mul3A_607 = arith.mulf %get3A_599, %get3A_605 : vector<16xf32>
      %add3A_608 = arith.addf %mul3A_606, %mul3A_607 : vector<16xf32>
      %reduce_sum3A_609 = arith.constant true
      %reduce_sum3A_610 = vector.broadcast %reduce_sum3A_609 : i1 to vector<16xi1>
      %reduce_sum3A_611 = tpu.scan <sum>, %add3A_608 masked %reduce_sum3A_610 : vector<16xf32>, vector<16xi1> -> vector<16xf32>
      %reduce_sum3A_612 = vector.extract %reduce_sum3A_611[15] : f32 from vector<16xf32>
      %broadcast_in_dim3A_613 = vector.broadcast %reduce_sum3A_612 : f32 to vector<16xf32>
      %select_n3A_614 = arith.select %eq3A_62, %broadcast_in_dim3A_613, %select_n3A_571 : vector<16xi1>, vector<16xf32>
      %mul3A_615 = arith.mulf %get3A_596, %get3A_596 : vector<16xf32>
      %mul3A_616 = arith.mulf %get3A_599, %get3A_599 : vector<16xf32>
      %add3A_617 = arith.addf %mul3A_615, %mul3A_616 : vector<16xf32>
      %reduce_sum3A_618 = arith.constant true
      %reduce_sum3A_619 = vector.broadcast %reduce_sum3A_618 : i1 to vector<16xi1>
      %reduce_sum3A_620 = tpu.scan <sum>, %add3A_617 masked %reduce_sum3A_619 : vector<16xf32>, vector<16xi1> -> vector<16xf32>
      %reduce_sum3A_621 = vector.extract %reduce_sum3A_620[15] : f32 from vector<16xf32>
      %broadcast_in_dim3A_622 = vector.broadcast %reduce_sum3A_621 : f32 to vector<16xf32>
      %select_n3A_623 = arith.select %eq3A_62, %broadcast_in_dim3A_622, %select_n3A_580 : vector<16xi1>, vector<16xf32>
      %mul3A_624 = arith.mulf %get3A_602, %get3A_602 : vector<16xf32>
      %mul3A_625 = arith.mulf %get3A_605, %get3A_605 : vector<16xf32>
      %add3A_626 = arith.addf %mul3A_624, %mul3A_625 : vector<16xf32>
      %reduce_sum3A_627 = arith.constant true
      %reduce_sum3A_628 = vector.broadcast %reduce_sum3A_627 : i1 to vector<16xi1>
      %reduce_sum3A_629 = tpu.scan <sum>, %add3A_626 masked %reduce_sum3A_628 : vector<16xf32>, vector<16xi1> -> vector<16xf32>
      %reduce_sum3A_630 = vector.extract %reduce_sum3A_629[15] : f32 from vector<16xf32>
      %broadcast_in_dim3A_631 = vector.broadcast %reduce_sum3A_630 : f32 to vector<16xf32>
      %select_n3A_632 = arith.select %eq3A_62, %broadcast_in_dim3A_631, %select_n3A_589 : vector<16xi1>, vector<16xf32>
      %mul3A_633 = arith.constant 8 : i32
      %mul3A_634 = arith.muli %scan3A_23, %mul3A_633 : i32
      %add3A_635 = arith.constant 6 : i32
      %add3A_636 = arith.addi %mul3A_634, %add3A_635 : i32
      %get3A_637 = arith.index_cast %add3A_636 : i32 to index
      %get3A_638 = arith.constant 64 : index
      %get3A_639 = tpu.vector_load %arg6[%get3A_637, %get3A_638] {strides = array<i32>} : memref<256x128xf32, #tpu.memory_space<vmem>>, vector<16xf32>,
      %get3A_640 = arith.index_cast %add3A_636 : i32 to index
      %get3A_641 = arith.constant 80 : index
      %get3A_642 = tpu.vector_load %arg6[%get3A_640, %get3A_641] {strides = array<i32>} : memref<256x128xf32, #tpu.memory_space<vmem>>, vector<16xf32>,
      %get3A_643 = arith.index_cast %add3A_636 : i32 to index
      %get3A_644 = arith.constant 96 : index
      %get3A_645 = tpu.vector_load %arg6[%get3A_643, %get3A_644] {strides = array<i32>} : memref<256x128xf32, #tpu.memory_space<vmem>>, vector<16xf32>,
      %get3A_646 = arith.index_cast %add3A_636 : i32 to index
      %get3A_647 = arith.constant 112 : index
      %get3A_648 = tpu.vector_load %arg6[%get3A_646, %get3A_647] {strides = array<i32>} : memref<256x128xf32, #tpu.memory_space<vmem>>, vector<16xf32>,
      %mul3A_649 = arith.mulf %get3A_639, %get3A_645 : vector<16xf32>
      %mul3A_650 = arith.mulf %get3A_642, %get3A_648 : vector<16xf32>
      %add3A_651 = arith.addf %mul3A_649, %mul3A_650 : vector<16xf32>
      %reduce_sum3A_652 = arith.constant true
      %reduce_sum3A_653 = vector.broadcast %reduce_sum3A_652 : i1 to vector<16xi1>
      %reduce_sum3A_654 = tpu.scan <sum>, %add3A_651 masked %reduce_sum3A_653 : vector<16xf32>, vector<16xi1> -> vector<16xf32>
      %reduce_sum3A_655 = vector.extract %reduce_sum3A_654[15] : f32 from vector<16xf32>
      %broadcast_in_dim3A_656 = vector.broadcast %reduce_sum3A_655 : f32 to vector<16xf32>
      %select_n3A_657 = arith.select %eq3A_65, %broadcast_in_dim3A_656, %select_n3A_614 : vector<16xi1>, vector<16xf32>
      %mul3A_658 = arith.mulf %get3A_639, %get3A_639 : vector<16xf32>
      %mul3A_659 = arith.mulf %get3A_642, %get3A_642 : vector<16xf32>
      %add3A_660 = arith.addf %mul3A_658, %mul3A_659 : vector<16xf32>
      %reduce_sum3A_661 = arith.constant true
      %reduce_sum3A_662 = vector.broadcast %reduce_sum3A_661 : i1 to vector<16xi1>
      %reduce_sum3A_663 = tpu.scan <sum>, %add3A_660 masked %reduce_sum3A_662 : vector<16xf32>, vector<16xi1> -> vector<16xf32>
      %reduce_sum3A_664 = vector.extract %reduce_sum3A_663[15] : f32 from vector<16xf32>
      %broadcast_in_dim3A_665 = vector.broadcast %reduce_sum3A_664 : f32 to vector<16xf32>
      %select_n3A_666 = arith.select %eq3A_65, %broadcast_in_dim3A_665, %select_n3A_623 : vector<16xi1>, vector<16xf32>
      %mul3A_667 = arith.mulf %get3A_645, %get3A_645 : vector<16xf32>
      %mul3A_668 = arith.mulf %get3A_648, %get3A_648 : vector<16xf32>
      %add3A_669 = arith.addf %mul3A_667, %mul3A_668 : vector<16xf32>
      %reduce_sum3A_670 = arith.constant true
      %reduce_sum3A_671 = vector.broadcast %reduce_sum3A_670 : i1 to vector<16xi1>
      %reduce_sum3A_672 = tpu.scan <sum>, %add3A_669 masked %reduce_sum3A_671 : vector<16xf32>, vector<16xi1> -> vector<16xf32>
      %reduce_sum3A_673 = vector.extract %reduce_sum3A_672[15] : f32 from vector<16xf32>
      %broadcast_in_dim3A_674 = vector.broadcast %reduce_sum3A_673 : f32 to vector<16xf32>
      %select_n3A_675 = arith.select %eq3A_65, %broadcast_in_dim3A_674, %select_n3A_632 : vector<16xi1>, vector<16xf32>
      %mul3A_676 = arith.constant 8 : i32
      %mul3A_677 = arith.muli %scan3A_23, %mul3A_676 : i32
      %add3A_678 = arith.constant 7 : i32
      %add3A_679 = arith.addi %mul3A_677, %add3A_678 : i32
      %get3A_680 = arith.index_cast %add3A_679 : i32 to index
      %get3A_681 = arith.constant 0 : index
      %get3A_682 = tpu.vector_load %arg6[%get3A_680, %get3A_681] {strides = array<i32>} : memref<256x128xf32, #tpu.memory_space<vmem>>, vector<16xf32>,
      %get3A_683 = arith.index_cast %add3A_679 : i32 to index
      %get3A_684 = arith.constant 16 : index
      %get3A_685 = tpu.vector_load %arg6[%get3A_683, %get3A_684] {strides = array<i32>} : memref<256x128xf32, #tpu.memory_space<vmem>>, vector<16xf32>,
      %get3A_686 = arith.index_cast %add3A_679 : i32 to index
      %get3A_687 = arith.constant 32 : index
      %get3A_688 = tpu.vector_load %arg6[%get3A_686, %get3A_687] {strides = array<i32>} : memref<256x128xf32, #tpu.memory_space<vmem>>, vector<16xf32>,
      %get3A_689 = arith.index_cast %add3A_679 : i32 to index
      %get3A_690 = arith.constant 48 : index
      %get3A_691 = tpu.vector_load %arg6[%get3A_689, %get3A_690] {strides = array<i32>} : memref<256x128xf32, #tpu.memory_space<vmem>>, vector<16xf32>,
      %mul3A_692 = arith.mulf %get3A_682, %get3A_688 : vector<16xf32>
      %mul3A_693 = arith.mulf %get3A_685, %get3A_691 : vector<16xf32>
      %add3A_694 = arith.addf %mul3A_692, %mul3A_693 : vector<16xf32>
      %reduce_sum3A_695 = arith.constant true
      %reduce_sum3A_696 = vector.broadcast %reduce_sum3A_695 : i1 to vector<16xi1>
      %reduce_sum3A_697 = tpu.scan <sum>, %add3A_694 masked %reduce_sum3A_696 : vector<16xf32>, vector<16xi1> -> vector<16xf32>
      %reduce_sum3A_698 = vector.extract %reduce_sum3A_697[15] : f32 from vector<16xf32>
      %broadcast_in_dim3A_699 = vector.broadcast %reduce_sum3A_698 : f32 to vector<16xf32>
      %select_n3A_700 = arith.select %eq3A_68, %broadcast_in_dim3A_699, %select_n3A_657 : vector<16xi1>, vector<16xf32>
      %mul3A_701 = arith.mulf %get3A_682, %get3A_682 : vector<16xf32>
      %mul3A_702 = arith.mulf %get3A_685, %get3A_685 : vector<16xf32>
      %add3A_703 = arith.addf %mul3A_701, %mul3A_702 : vector<16xf32>
      %reduce_sum3A_704 = arith.constant true
      %reduce_sum3A_705 = vector.broadcast %reduce_sum3A_704 : i1 to vector<16xi1>
      %reduce_sum3A_706 = tpu.scan <sum>, %add3A_703 masked %reduce_sum3A_705 : vector<16xf32>, vector<16xi1> -> vector<16xf32>
      %reduce_sum3A_707 = vector.extract %reduce_sum3A_706[15] : f32 from vector<16xf32>
      %broadcast_in_dim3A_708 = vector.broadcast %reduce_sum3A_707 : f32 to vector<16xf32>
      %select_n3A_709 = arith.select %eq3A_68, %broadcast_in_dim3A_708, %select_n3A_666 : vector<16xi1>, vector<16xf32>
      %mul3A_710 = arith.mulf %get3A_688, %get3A_688 : vector<16xf32>
      %mul3A_711 = arith.mulf %get3A_691, %get3A_691 : vector<16xf32>
      %add3A_712 = arith.addf %mul3A_710, %mul3A_711 : vector<16xf32>
      %reduce_sum3A_713 = arith.constant true
      %reduce_sum3A_714 = vector.broadcast %reduce_sum3A_713 : i1 to vector<16xi1>
      %reduce_sum3A_715 = tpu.scan <sum>, %add3A_712 masked %reduce_sum3A_714 : vector<16xf32>, vector<16xi1> -> vector<16xf32>
      %reduce_sum3A_716 = vector.extract %reduce_sum3A_715[15] : f32 from vector<16xf32>
      %broadcast_in_dim3A_717 = vector.broadcast %reduce_sum3A_716 : f32 to vector<16xf32>
      %select_n3A_718 = arith.select %eq3A_68, %broadcast_in_dim3A_717, %select_n3A_675 : vector<16xi1>, vector<16xf32>
      %mul3A_719 = arith.constant 8 : i32
      %mul3A_720 = arith.muli %scan3A_23, %mul3A_719 : i32
      %add3A_721 = arith.constant 7 : i32
      %add3A_722 = arith.addi %mul3A_720, %add3A_721 : i32
      %get3A_723 = arith.index_cast %add3A_722 : i32 to index
      %get3A_724 = arith.constant 64 : index
      %get3A_725 = tpu.vector_load %arg6[%get3A_723, %get3A_724] {strides = array<i32>} : memref<256x128xf32, #tpu.memory_space<vmem>>, vector<16xf32>,
      %get3A_726 = arith.index_cast %add3A_722 : i32 to index
      %get3A_727 = arith.constant 80 : index
      %get3A_728 = tpu.vector_load %arg6[%get3A_726, %get3A_727] {strides = array<i32>} : memref<256x128xf32, #tpu.memory_space<vmem>>, vector<16xf32>,
      %get3A_729 = arith.index_cast %add3A_722 : i32 to index
      %get3A_730 = arith.constant 96 : index
      %get3A_731 = tpu.vector_load %arg6[%get3A_729, %get3A_730] {strides = array<i32>} : memref<256x128xf32, #tpu.memory_space<vmem>>, vector<16xf32>,
      %get3A_732 = arith.index_cast %add3A_722 : i32 to index
      %get3A_733 = arith.constant 112 : index
      %get3A_734 = tpu.vector_load %arg6[%get3A_732, %get3A_733] {strides = array<i32>} : memref<256x128xf32, #tpu.memory_space<vmem>>, vector<16xf32>,
      %mul3A_735 = arith.mulf %get3A_725, %get3A_731 : vector<16xf32>
      %mul3A_736 = arith.mulf %get3A_728, %get3A_734 : vector<16xf32>
      %add3A_737 = arith.addf %mul3A_735, %mul3A_736 : vector<16xf32>
      %reduce_sum3A_738 = arith.constant true
      %reduce_sum3A_739 = vector.broadcast %reduce_sum3A_738 : i1 to vector<16xi1>
      %reduce_sum3A_740 = tpu.scan <sum>, %add3A_737 masked %reduce_sum3A_739 : vector<16xf32>, vector<16xi1> -> vector<16xf32>
      %reduce_sum3A_741 = vector.extract %reduce_sum3A_740[15] : f32 from vector<16xf32>
      %broadcast_in_dim3A_742 = vector.broadcast %reduce_sum3A_741 : f32 to vector<16xf32>
      %select_n3A_743 = arith.select %eq3A_71, %broadcast_in_dim3A_742, %select_n3A_700 : vector<16xi1>, vector<16xf32>
      %mul3A_744 = arith.mulf %get3A_725, %get3A_725 : vector<16xf32>
      %mul3A_745 = arith.mulf %get3A_728, %get3A_728 : vector<16xf32>
      %add3A_746 = arith.addf %mul3A_744, %mul3A_745 : vector<16xf32>
      %reduce_sum3A_747 = arith.constant true
      %reduce_sum3A_748 = vector.broadcast %reduce_sum3A_747 : i1 to vector<16xi1>
      %reduce_sum3A_749 = tpu.scan <sum>, %add3A_746 masked %reduce_sum3A_748 : vector<16xf32>, vector<16xi1> -> vector<16xf32>
      %reduce_sum3A_750 = vector.extract %reduce_sum3A_749[15] : f32 from vector<16xf32>
      %broadcast_in_dim3A_751 = vector.broadcast %reduce_sum3A_750 : f32 to vector<16xf32>
      %select_n3A_752 = arith.select %eq3A_71, %broadcast_in_dim3A_751, %select_n3A_709 : vector<16xi1>, vector<16xf32>
      %mul3A_753 = arith.mulf %get3A_731, %get3A_731 : vector<16xf32>
      %mul3A_754 = arith.mulf %get3A_734, %get3A_734 : vector<16xf32>
      %add3A_755 = arith.addf %mul3A_753, %mul3A_754 : vector<16xf32>
      %reduce_sum3A_756 = arith.constant true
      %reduce_sum3A_757 = vector.broadcast %reduce_sum3A_756 : i1 to vector<16xi1>
      %reduce_sum3A_758 = tpu.scan <sum>, %add3A_755 masked %reduce_sum3A_757 : vector<16xf32>, vector<16xi1> -> vector<16xf32>
      %reduce_sum3A_759 = vector.extract %reduce_sum3A_758[15] : f32 from vector<16xf32>
      %broadcast_in_dim3A_760 = vector.broadcast %reduce_sum3A_759 : f32 to vector<16xf32>
      %select_n3A_761 = arith.select %eq3A_71, %broadcast_in_dim3A_760, %select_n3A_718 : vector<16xi1>, vector<16xf32>
      %max3A = arith.constant 1.000000e-16 : f32
      %max3A_762 = vector.broadcast %max3A : f32 to vector<16xf32>
      %max3A_763 = arith.maximumf %select_n3A_752, %max3A_762 : vector<16xf32>
      %max3A_764 = arith.constant 1.000000e-16 : f32
      %max3A_765 = vector.broadcast %max3A_764 : f32 to vector<16xf32>
      %max3A_766 = arith.maximumf %select_n3A_761, %max3A_765 : vector<16xf32>
      %mul3A_767 = arith.mulf %max3A_763, %max3A_766 : vector<16xf32>
      %bitcast_convert_type3A = tpu.bitcast %mul3A_767 : vector<16xf32> -> vector<16xi32>
      %shift_right_logical3A = arith.constant 1 : i32
      %shift_right_logical3A_768 = vector.broadcast %shift_right_logical3A : i32 to vector<16xi32>
      %shift_right_logical3A_769 = arith.shrui %bitcast_convert_type3A, %shift_right_logical3A_768 : vector<16xi32>
      %sub3A = arith.constant 1597463007 : i32
      %sub3A_770 = vector.broadcast %sub3A : i32 to vector<16xi32>
      %sub3A_771 = arith.subi %sub3A_770, %shift_right_logical3A_769 : vector<16xi32>
      %bitcast_convert_type3A_772 = tpu.bitcast %sub3A_771 : vector<16xi32> -> vector<16xf32>
      %mul3A_773 = arith.constant 5.000000e-01 : f32
      %mul3A_774 = vector.broadcast %mul3A_773 : f32 to vector<16xf32>
      %mul3A_775 = arith.mulf %mul3A_774, %mul3A_767 : vector<16xf32>
      %mul3A_776 = arith.mulf %mul3A_775, %bitcast_convert_type3A_772 : vector<16xf32>
      %mul3A_777 = arith.mulf %mul3A_776, %bitcast_convert_type3A_772 : vector<16xf32>
      %sub3A_778 = arith.constant 1.500000e+00 : f32
      %sub3A_779 = vector.broadcast %sub3A_778 : f32 to vector<16xf32>
      %sub3A_780 = arith.subf %sub3A_779, %mul3A_777 : vector<16xf32>
      %mul3A_781 = arith.mulf %bitcast_convert_type3A_772, %sub3A_780 : vector<16xf32>
      %mul3A_782 = arith.constant 5.000000e-01 : f32
      %mul3A_783 = vector.broadcast %mul3A_782 : f32 to vector<16xf32>
      %mul3A_784 = arith.mulf %mul3A_783, %mul3A_767 : vector<16xf32>
      %mul3A_785 = arith.mulf %mul3A_784, %mul3A_781 : vector<16xf32>
      %mul3A_786 = arith.mulf %mul3A_785, %mul3A_781 : vector<16xf32>
      %sub3A_787 = arith.constant 1.500000e+00 : f32
      %sub3A_788 = vector.broadcast %sub3A_787 : f32 to vector<16xf32>
      %sub3A_789 = arith.subf %sub3A_788, %mul3A_786 : vector<16xf32>
      %mul3A_790 = arith.mulf %mul3A_781, %sub3A_789 : vector<16xf32>
      %mul3A_791 = arith.constant 5.000000e-01 : f32
      %mul3A_792 = vector.broadcast %mul3A_791 : f32 to vector<16xf32>
      %mul3A_793 = arith.mulf %mul3A_792, %mul3A_767 : vector<16xf32>
      %mul3A_794 = arith.mulf %mul3A_793, %mul3A_790 : vector<16xf32>
      %mul3A_795 = arith.mulf %mul3A_794, %mul3A_790 : vector<16xf32>
      %sub3A_796 = arith.constant 1.500000e+00 : f32
      %sub3A_797 = vector.broadcast %sub3A_796 : f32 to vector<16xf32>
      %sub3A_798 = arith.subf %sub3A_797, %mul3A_795 : vector<16xf32>
      %mul3A_799 = arith.mulf %mul3A_790, %sub3A_798 : vector<16xf32>
      %mul3A_800 = arith.mulf %select_n3A_743, %mul3A_799 : vector<16xf32>
      %mul3A_801 = arith.constant 5.000000e-01 : f32
      %mul3A_802 = vector.broadcast %mul3A_801 : f32 to vector<16xf32>
      %mul3A_803 = arith.mulf %mul3A_802, %mul3A_800 : vector<16xf32>
      %add3A_804 = arith.constant 5.000000e-01 : f32
      %add3A_805 = vector.broadcast %add3A_804 : f32 to vector<16xf32>
      %add3A_806 = arith.addf %add3A_805, %mul3A_803 : vector<16xf32>
      %mul3A_807 = arith.constant 16 : i32
      %mul3A_808 = arith.muli %scan3A_23, %mul3A_807 : i32
      %swap3A = arith.index_cast %mul3A_808 : i32 to index
      %swap3A_809 = tpu.vector_load %arg7[%swap3A] {strides = array<i32>} : memref<512xf32, #tpu.memory_space<vmem>>, vector<16xf32>,
      tpu.vector_store %arg7[%swap3A], %add3A_806 {strides = array<i32>} : memref<512xf32, #tpu.memory_space<vmem>>, vector<16xf32>,
      %scan3A_810 = arith.constant 0 : i32
      scf.yield %scan3A_810 : i32
    }
    %scan3A_20 = arith.constant 32 : i32
    %mul3A_21 = arith.constant 512 : i32
    %mul3A_22 = arith.muli %add3A, %mul3A_21 : i32
    %multiple_of3A = tpu.assume_multiple %mul3A_22, 8 : i32
    "tpu.region"() ({
      %run_scoped3A = tpu.sem_alloc : memref<!tpu.dma_semaphore, #tpu.memory_space<semaphore_mem>>
      %dma_start3A = tpu.memref_slice %arg4[%multiple_of3A] : memref<16384xf32, #tpu.memory_space<hbm>> -> memref<512xf32, #tpu.memory_space<hbm>>
      %dma_start3A_23 = tpu.memref_slice %arg4[%multiple_of3A] : memref<16384xf32, #tpu.memory_space<hbm>> -> memref<512xf32, #tpu.memory_space<hbm>>
      tpu.enqueue_dma source(%arg7 : memref<512xf32, #tpu.memory_space<vmem>>) target(%dma_start3A_23 : memref<512xf32, #tpu.memory_space<hbm>>) target_semaphore(%run_scoped3A : memref<!tpu.dma_semaphore, #tpu.memory_space<semaphore_mem>>)
      %dma_wait3A = tpu.memref_slice %arg4[%multiple_of3A] : memref<16384xf32, #tpu.memory_space<hbm>> -> memref<512xf32, #tpu.memory_space<hbm>>
      %dma_wait3A_24 = tpu.memref_slice %arg4[%multiple_of3A] : memref<16384xf32, #tpu.memory_space<hbm>> -> memref<512xf32, #tpu.memory_space<hbm>>
      tpu.wait_dma2 semaphore(%run_scoped3A : memref<!tpu.dma_semaphore, #tpu.memory_space<semaphore_mem>>) src(%arg7 : memref<512xf32, #tpu.memory_space<vmem>>) dst(%dma_wait3A_24 : memref<512xf32, #tpu.memory_space<hbm>>)
      tpu.yield
    }) : () -> ()
    return
  }
}

</mosaic_0001>

<sc_bundles>
// kernel: kernel.3.cloned.1.call-start
scs
__scs_entry_jumppad:
0x0: {  	(pc) =	sbr.rel $0x88, $3  }
0x1: {  	(tag) =	ssettag $0x0;
	lr =	simm.s32 $0x1  }
0x2: {  	[smem:$0x3F9F] =	sst lr;
	_ =	strace $0xD0000000  }
0x3: {  	_ = 	snop  }
0x4: {  	_ = 	snop  }
0x5: {  	_ = 	snop  }
0x6: {  	_ = 	snop  }
0x7: {  	_ = 	snop  }
__scs_overlays_trampoline_lowered:
0x8: {  	[smem:$0x3FAE] =	sst s0  }
0x9: {  	[smem:$0x3FAF] =	sst s1  }
0xa: {  	[smem:$0x3FB0] =	sst s2  }
0xb: {  	[smem:$0x3FB1] =	sst s3  }
0xc: {  	[smem:$0x3FB2] =	sst s4  }
0xd: {  	[smem:$0x3FB3] =	sst s5  }
0xe: {  	[smem:$0x3FB4] =	sst s6  }
0xf: {  	[smem:$0x3FB5] =	sst s7  }
0x10: {  	[smem:$0x3FB6] =	sst s8  }
0x11: {  	[smem:$0x3FB7] =	sst s9;
	s0 =	simm.s32 @!p0 $0x0  }
0x12: {  	s1 =	sld [smem:$0x3F9D];
	s0 =	simm.s32 @p0 $0x1  }
0x13: {  	[smem:$0x3FB8] =	sst s0;
	s0 =	simm.s32 @!p1 $0x0  }
0x14: {  	s2 =	sld [smem:$0x3F9C];
	s0 =	simm.s32 @p1 $0x1  }
0x15: {  	[smem:$0x3FB9] =	sst s0;
	s0 =	simm.s32 @!p2 $0x0  }
0x16: {  	s3 =	sld [smem:$0x3FDB];
	s0 =	simm.s32 @p2 $0x1  }
0x17: {  	s4 =	simm.s32 $0x1BF5;
	[smem:$0x3FBB] =	sst s0  }
0x18: {  	s0 =	sld [smem:$0x3F9E];
	_ =	swait.ge [sflag:s4], $0x0  }
0x19: {  	s7 =	sld [smem:$0x3F9F]  }
0x1a: {  	s8 =	sadd.s32 $0xFFFFE003, lr  }
0x1b: {  	s9 =	sadd.s32 $0xFFFFFEF7, lr;
	s5 =	simm.s32 $0xFFFFFFFF;
	p2 =	slt.u32 s8, $0xFFFFF086  }
0x1c: {  	p1 =	slt.u32 s9, $0xF7A;
	s5 =	simm.s32 @!p2 $0x0  }
0x1d: {  	s5 =	simm.s32 @p1 $0x1;
	p0 =	seq.s32 s7, s2  }
0x1e: {  	s7 =	smul.u32 @!p0 $0xF7A, s2;
	p2 =	seq.s32 @!p0 s5, $0x0  }
0x1f: {  	s9 =	smul.u32 $0xF7A, s1;
	s8 =	simm.s32 @!p0 $0x1BF5;
	p2 =	por !p2, p0  }
0x20: {  	[sflag:s8] =	ssyncset.s32 @!p0 $0xFFFFF086;
	s6 =	sadd.s32 @!p0 s3, s7;
	s7 =	simm.s32 @!p0 $0x108  }
0x21: {  	s3 =	sadd.s32 s3, s9;
	s6 =	sadd.s32 @!p0 $0x88, s6;
	s7 =	simm.s32 @p2 $0x1082  }
0x22: {  	[simem:s7], [sflag:s8] =	dma.local @!p0 [hbm:s6], $0xF7A  }
0x23: {  	s9 =	sor.u32 $0xD0000000, s2;
	s6 =	simm.s32 $0x108;
	_ =	swait.ge @!p0 [sflag:s8], $0x0  }
0x24: {  	s3 =	sadd.s32 $0x88, s3;
	s6 =	simm.s32 @!p1 $0x1082;
	[sflag:s4] =	ssyncset.s32 $0xFFFFF086  }
0x25: {  	[simem:s6], [sflag:s4] =	dma.local [hbm:s3], $0xF7A  }
0x26: {  	[smem:$0x3F9F] =	sst s1;
	(tag) =	ssettag s2;
	_ =	strace s9  }
0x27: {  	s1 =	sld [smem:$0x3FAF]  }
0x28: {  	s2 =	sld [smem:$0x3FB0]  }
0x29: {  	s4 =	sld [smem:$0x3FB2]  }
0x2a: {  	p0 =	seq.s32 s5, $0x0;
	s5 =	sld [smem:$0x3FB3]  }
0x2b: {  	s6 =	sld [smem:$0x3FB4]  }
0x2c: {  	s7 =	sld [smem:$0x3FB5]  }
0x2d: {  	s3 =	simm.s32 $0x108;
	s8 =	sld [smem:$0x3FB6]  }
0x2e: {  	s3 =	simm.s32 @!p0 $0x1082;
	s9 =	sld [smem:$0x3FB7]  }
0x2f: {  	lr =	sadd.s32 s0, s3;
	s0 =	sld [smem:$0x3FAE]  }
0x30: {  	s3 =	sld [smem:$0x3FB1]  }
0x31: {  	[smem:$0x3FBA] =	sst s10  }
0x32: {  	s10 =	sld [smem:$0x3FB8];
	_ =	sdelay $0x3  }
0x33: {  	p0 =	seq.s32 s10, $0x1;
	s10 =	sld [smem:$0x3FBA];
	_ =	sdelay $0x3  }
0x34: {  	[smem:$0x3FBA] =	sst s10  }
0x35: {  	s10 =	sld [smem:$0x3FB9];
	_ =	sdelay $0x3  }
0x36: {  	p1 =	seq.s32 s10, $0x1;
	s10 =	sld [smem:$0x3FBA];
	_ =	sdelay $0x3  }
0x37: {  	[smem:$0x3FBA] =	sst s10  }
0x38: {  	s10 =	sld [smem:$0x3FBB]  }
0x39: {  	_ = 	snop;
	(pc) =	sbr.ind lr, $3  }
0x3a: {  	_ = 	snop  }
0x3b: {  	_ = 	snop  }
0x3c: {  	p2 =	seq.s32 s10, $0x1;
	s10 =	sld [smem:$0x3FBA]  }
0x3d: {  	_ =	shalt  }
0x3e: {  	_ =	shalt  }
0x3f: {  	_ =	shalt  }
0x40: {  	_ =	shalt  }
0x41: {  	_ =	shalt  }
0x42: {  	_ =	shalt  }
0x43: {  	_ =	shalt  }
0x44: {  	_ =	shalt  }
0x45: {  	_ =	shalt  }
0x46: {  	_ =	shalt  }
0x47: {  	_ =	shalt  }
0x48: {  	_ =	shalt  }
0x49: {  	_ =	shalt  }
0x4a: {  	_ =	shalt  }
0x4b: {  	_ =	shalt  }
0x4c: {  	_ =	shalt  }
0x4d: {  	_ =	shalt  }
0x4e: {  	_ =	shalt  }
0x4f: {  	_ =	shalt  }
0x50: {  	_ =	shalt  }
0x51: {  	_ =	shalt  }
0x52: {  	_ =	shalt  }
0x53: {  	_ =	shalt  }
0x54: {  	_ =	shalt  }
0x55: {  	_ =	shalt  }
0x56: {  	_ =	shalt  }
0x57: {  	_ =	shalt  }
0x58: {  	_ =	shalt  }
0x59: {  	_ =	shalt  }
0x5a: {  	_ =	shalt  }
0x5b: {  	_ =	shalt  }
0x5c: {  	_ =	shalt  }
0x5d: {  	_ =	shalt  }
0x5e: {  	_ =	shalt  }
0x5f: {  	_ =	shalt  }
0x60: {  	_ =	shalt  }
0x61: {  	_ =	shalt  }
0x62: {  	_ =	shalt  }
0x63: {  	_ =	shalt  }
0x64: {  	_ =	shalt  }
0x65: {  	_ =	shalt  }
0x66: {  	_ =	shalt  }
0x67: {  	_ =	shalt  }
0x68: {  	_ =	shalt  }
0x69: {  	_ =	shalt  }
0x6a: {  	_ =	shalt  }
0x6b: {  	_ =	shalt  }
0x6c: {  	_ =	shalt  }
0x6d: {  	_ =	shalt  }
0x6e: {  	_ =	shalt  }
0x6f: {  	_ =	shalt  }
0x70: {  	_ =	shalt  }
0x71: {  	_ =	shalt  }
0x72: {  	_ =	shalt  }
0x73: {  	_ =	shalt  }
0x74: {  	_ =	shalt  }
0x75: {  	_ =	shalt  }
0x76: {  	_ =	shalt  }
0x77: {  	_ =	shalt  }
0x78: {  	_ =	shalt  }
0x79: {  	_ =	shalt  }
0x7a: {  	_ =	shalt  }
0x7b: {  	_ =	shalt  }
0x7c: {  	_ =	shalt  }
0x7d: {  	_ =	shalt  }
0x7e: {  	_ =	shalt  }
0x7f: {  	_ =	shalt  }
0x80: {  	_ =	shalt  }
0x81: {  	_ =	shalt  }
0x82: {  	_ =	shalt  }
0x83: {  	_ =	shalt  }
0x84: {  	_ =	shalt  }
0x85: {  	_ =	shalt  }
0x86: {  	_ =	shalt  }
0x87: {  	_ =	shalt  }
.Lfunc_end0:
.L_simem_size_0:
called_computation_lowered:
.L_overlay_start_0:
0x88: {  	s2 =	sld [smem:$0x3FD9]  }
0x89: {  	s3 =	sld [smem:$0x3FFE];
	_ =	sdelay $0x1  }
0x8a: {  	s1 =	srdreg.scid  }
0x8b: {  	s0 =	sand.u32 $0x1, s1  }
0x8c: {  	s17 =	sshll.u32 s0, $0xA;
	s2 =	sadd.s32 s3, s2  }
0x8d: {  	s2 =	sadd.s32 s2, s17  }
0x8e: {  	[smem:$0x3FC6] =	sst s2  }
0x8f: {  	_ = 	snop  }
0x90: {  	s2 =	sld [smem:$0x3FD0];
	(tm) =	ssettm $0x1  }
0x91: {  	s18 =	sld [smem:$0x3FFB];
	_ =	sdelay $0x3  }
0x92: {  	_ =	strace s18  }
0x93: {  	s3 =	sld [smem:$0x3FFC];
	_ =	sdelay $0x3  }
0x94: {  	_ =	strace s3  }
0x95: {  	s3 =	sld [smem:$0x3FFD];
	_ =	sdelay $0x3  }
0x96: {  	_ =	strace s3  }
0x97: {  	_ =	strace $0x8FFFFFFF  }
0x98: {  	s19 =	sld [smem:$0x3FDB];
	_ =	sdelay $0x1  }
0x99: {  	s4 =	simm.s32 $_scs_section_size  }
0x9a: {  	s5 =	simm.s32 $_size__tile_overlayer_lowered;
	s6 =	simm.s32 $_tile_overlayer_lowered  }
0x9b: {  	s22 =	simm.s32 $0x1BFF;
	s21 =	sshll.u32 s6, $0x1;
	s3 =	sadd.s32 s4, s19  }
0x9c: {  	s7 =	simm.s32 $0x0;
	s20 =	sshll.u32 s5, $0x1;
	s5 =	sadd.s32 s21, s3  }
0x9d: {  	[timem:s7], [sflag:s22] =	dma.local [hbm:s5], s20  }
0x9e: {  	_ =	swait.ge [sflag:s22], s20  }
0x9f: {  	s4 =	ssub.s32 $0x0, s20;
	[sflag:s22] =	ssyncset.done $0x0  }
0xa0: {  	[sflag:s22] =	ssyncadd.s32 s4;
	_ =	sdelay $0x1  }
0xa1: {  	s23 =	simm.s32 $0x1B8B  }
0xa2: {  	_ =	swait.ge [sflag:s23], $0x1  }
0xa3: {  	[sflag:s23] =	ssyncset.done $0x0  }
0xa4: {  	s25 =	simm.s32 $0x1B8E;
	s24 =	sld [smem:$0x3FFE];
	[sflag:s23] =	ssyncadd.s32 $0xFFFFFFFF  }
0xa5: {  	s26 =	simm.s32 $execute0_lowered;
	[smem:$0x3FD2] =	sst s25  }
0xa6: {  	s5 =	sshll.u32 s26, $0x1;
	_ =	strace $0x80000046;
	[dreg:$0x1] =	wrdreg $0xFFFFFFFF  }
0xa7: {  	s28 =	simm.s32 $_size_execute0_lowered;
	s3 =	sadd.s32 s3, s5;
	[dreg:$0x0] =	wrdreg $0x0  }
0xa8: {  	s5 =	sshll.u32 s28, $0x1;
	[dreg:$0x2] =	wrdreg s3  }
0xa9: {  	[dreg:$0x3] =	wrdreg s5  }
0xaa: {  	[dreg:$0x4] =	wrdreg $0xC0  }
0xab: {  	_ =	task [dreg:s7], $0x5FFFF  }
0xac: {  	[dreg:$0x1] =	wrdreg $0xFFFFFFFF  }
0xad: {  	[dreg:$0x0] =	wrdreg $0x60  }
0xae: {  	[dreg:$0x2] =	wrdreg s24  }
0xaf: {  	[dreg:$0x3] =	wrdreg s2  }
0xb0: {  	[dreg:$0x4] =	wrdreg $0x9  }
0xb1: {  	_ =	task.clear_ibuf [dreg:s7], $0x5FFFF;
	_ =	strace $0x90000046  }
0xb2: {  	s29 =	simm.s32 $0x9;
	_ =	strace $0x80000048  }
0xb3: {  	_ =	swait.ge [sflag:s29], $0x1  }
0xb4: {  	[sflag:s29] =	ssyncadd.s32 $0xFFFFFFFF  }
0xb5: {  	_ =	strace $0x90000048  }
0xb6: {  	_ =	sfence  }
0xb7: {  	s30 =	sld [smem:$0x0];
	_ =	sdelay $0x2  }
0xb8: {  	s31 =	sshll.u32 s1, $0xD;
	s1 =	sshrl.u32 s1, $0x2  }
0xb9: {  	s3 =	sand.u32 $0x4000, s31;
	s1 =	sadd.s32 s1, s30  }
0xba: {  	s0 =	sor.u32 s3, s0;
	s1 =	sshll.u32 s1, $0x11  }
0xbb: {  	s0 =	sor.u32 s1, s0  }
0xbc: {  	s0 =	sadd.s32 $0x8F2B, s0  }
0xbd: {  	[sflag:s0] =	ssyncadd.remote.s32 $0x1  }
0xbe: {  	_ =	sfence.sel $0xFFFF  }
0xbf: {  	[dreg:$0x0] =	wrdreg $0xFFFFFFFF;
	(pc) =	sbr.abs _section_cstart, $3  }
0xc0: {  	[dreg:$0x1] =	wrdreg $0xFFFFFFFF  }
0xc1: {  	_ =	task.clear_ibuf [dreg:s7], $0x2FFFF;
	_ =	strace $0x9FFFFFFF  }
0xc2: {  	(tm) =	ssettm $0x7FFFFFFF  }
0xc3: {  	_ =	shalt  }
tec
execute0_lowered:
.L_overlay_start_1:
0x0: {  	(tag) =	ssettag $0x1  }
0x1: {  	s4 =	rddreg [dreg:$0x0]  }
0x2: {  	s5 =	rddreg [dreg:$0x1]  }
0x3: {  	s0 =	rddreg [dreg:$0x2];
	s2 =	simm.s32 $0x0;
	s3 =	srdreg.scid  }
0x4: {  	s1 =	stileid.u32;
	s9 =	simm.s32 $0x1;
	s10 =	simm.s32 $0x8400  }
0x5: {  	s11 =	simm.s32 $0x0;
	s6 =	sand.u32 $0x1, s3;
	s30 =	sshll.u32 s1, $0x1  }
0x6: {  	vm0 =	vmmov $0x1;
	vm1 =	vmmov $0x3;
	vm2 =	vmmov $0x7;
	[smem:$0x7FF] =	sst s2;
	s3 =	sadd.s32 $0x1400, s4;
	s7 =	sor.u32 s6, s30  }
0x7: {  	vm3 =	vmmov $0xf;
	vm4 =	vmmov $0x1f;
	vm5 =	vmmov $0x3f;
	_ =	strace $0x80000047;
	s6 =	ssub.s32 $0x2, s6;
	s8 =	sshll.u32 s7, $0x7  }
0x8: {  	vm6 =	vmmov $0x7f;
	vm7 =	vmmov $0xff;
	vm8 =	vmmov $0x1ff;
	s31 =	sshrl.u32 s6, $0x1;
	s7 =	sshll.u32 s7, $0x6;
	s4 =	sadd.s32 s8, s4  }
0x9: {  	vm9 =	vmmov $0x3ff;
	vm10 =	vmmov $0x7ff;
	vm11 =	vmmov $0xfff;
	s6 =	ssub.s32 s6, s31;
	s5 =	sadd.s32 s5, s7;
	s7 =	simm.s32 $0x2  }
0xa: {  	vm12 =	vmmov $0x1fff;
	vm13 =	vmmov $0x3fff;
	vm14 =	vmmov $0x7fff;
	s8 =	simm.s32 $0x80;
	s4 =	sadd.s32 $0x400, s4;
	s6 =	smax.u32 s6, $0x1  }
.LBB2_1:
0xb: {  	[tilespmem:s2], [sflag:$0x2] =	stream.linear.gather [hbm4b:s4+s2], $0x400, $0x38;
	[tilespmem:$0x8600] =	vst v63  }
0xc: {  	s12 =	sand.u32 $0xE00, s2;
	_ =	swait.ge [sflag:s7], $0x400  }
0xd: {  	s13 =	sand.u32 $0x70, s2;
	s12 =	sshrl.u32 s12, $0x2;
	[sflag:s7] =	ssyncset.done $0x0  }
0xe: {  	s12 =	sor.u32 s13, s12;
	[sflag:s7] =	ssyncadd.s32 $0xFFFFFC00  }
0xf: {  	v0 =	vld [tilespmem:s12+$0x0];
	_ =	sdelay $0x4  }
0x10: {  	v0 =	vshll.u32 v0, $0x4  }
0x11: {  	(v2sf) =	vpush v0, $0x0;
	_ =	sdelay $0x1  }
0x12: {  	(v2sf) =	vpush v0, $0x1;
	_ =	sdelay $0x3  }
0x13: {  	(v2sf) =	vpush v0, $0x2;
	_ =	sdelay $0x3  }
0x14: {  	(v2sf) =	vpush v0, $0x3;
	_ =	sdelay $0x3  }
0x15: {  	(v2sf) =	vpush v0, $0x4  }
0x16: {  	s18 =	spop (v2sf)  }
0x17: {  	s15 =	simm.s32 $0x400;
	s13 =	sand.u32 $0x1FFFFFF0, s18  }
0x18: {  	s12 =	simm.s32 $0x400;
	s14 =	spop (v2sf);
	s13 =	sadd.s32 s3, s13  }
0x19: {  	(v2sf) =	vpush v0, $0x5;
	[tilespmem:s15], [sflag:$0x1] =	stream.strided.gather [hbm4b:s13+s8], $0x0, s12, s8, $0x38;
	[tilespmem:$0x8600] =	vst v63  }
0x1a: {  	s14 =	sand.u32 $0x1FFFFFF0, s14  }
0x1b: {  	[tilespmem:s15], [sflag:$0x1] =	stream.linear.gather [hbm4b:s13+s2], $0x20, $0x38;
	[tilespmem:$0x8600] =	vst v63  }
0x1c: {  	s19 =	simm.s32 $0x420;
	s20 =	spop (v2sf);
	s14 =	sadd.s32 s3, s14  }
0x1d: {  	(v2sf) =	vpush v0, $0x6;
	[tilespmem:s19], [sflag:$0x1] =	stream.strided.gather [hbm4b:s14+s8], $0x0, s12, s8, $0x38;
	[tilespmem:$0x8600] =	vst v63  }
0x1e: {  	s15 =	sand.u32 $0x1FFFFFF0, s20  }
0x1f: {  	[tilespmem:s19], [sflag:$0x1] =	stream.linear.gather [hbm4b:s14+s2], $0x20, $0x38;
	[tilespmem:$0x8600] =	vst v63  }
0x20: {  	s22 =	simm.s32 $0x440;
	s21 =	spop (v2sf);
	s15 =	sadd.s32 s3, s15  }
0x21: {  	(v2sf) =	vpush v0, $0x7;
	[tilespmem:s22], [sflag:$0x1] =	stream.strided.gather [hbm4b:s15+s8], $0x0, s12, s8, $0x38;
	[tilespmem:$0x8600] =	vst v63  }
0x22: {  	s13 =	sand.u32 $0x1FFFFFF0, s21  }
0x23: {  	[tilespmem:s22], [sflag:$0x1] =	stream.linear.gather [hbm4b:s15+s2], $0x20, $0x38;
	[tilespmem:$0x8600] =	vst v63  }
0x24: {  	s24 =	simm.s32 $0x460;
	s23 =	spop (v2sf);
	s13 =	sadd.s32 s3, s13  }
0x25: {  	(v2sf) =	vpush v0, $0x8;
	[tilespmem:s24], [sflag:$0x1] =	stream.strided.gather [hbm4b:s13+s8], $0x0, s12, s8, $0x38;
	[tilespmem:$0x8600] =	vst v63  }
0x26: {  	s14 =	sand.u32 $0x1FFFFFF0, s23  }
0x27: {  	[tilespmem:s24], [sflag:$0x1] =	stream.linear.gather [hbm4b:s13+s2], $0x20, $0x38;
	[tilespmem:$0x8600] =	vst v63  }
0x28: {  	s26 =	simm.s32 $0x480;
	s14 =	sadd.s32 s3, s14;
	s25 =	spop (v2sf)  }
0x29: {  	(v2sf) =	vpush v0, $0x9;
	[tilespmem:s26], [sflag:$0x1] =	stream.strided.gather [hbm4b:s14+s8], $0x0, s12, s8, $0x38;
	[tilespmem:$0x8600] =	vst v63  }
0x2a: {  	s13 =	sand.u32 $0x1FFFFFF0, s25  }
0x2b: {  	[tilespmem:s26], [sflag:$0x1] =	stream.linear.gather [hbm4b:s14+s2], $0x20, $0x38;
	[tilespmem:$0x8600] =	vst v63  }
0x2c: {  	s29 =	simm.s32 $0x4A0;
	s28 =	spop (v2sf);
	s13 =	sadd.s32 s3, s13  }
0x2d: {  	(v2sf) =	vpush v0, $0xA;
	[tilespmem:s29], [sflag:$0x1] =	stream.strided.gather [hbm4b:s13+s8], $0x0, s12, s8, $0x38;
	[tilespmem:$0x8600] =	vst v63  }
0x2e: {  	s14 =	sand.u32 $0x1FFFFFF0, s28  }
0x2f: {  	[tilespmem:s29], [sflag:$0x1] =	stream.linear.gather [hbm4b:s13+s2], $0x20, $0x38;
	[tilespmem:$0x8600] =	vst v63  }
0x30: {  	s31 =	simm.s32 $0x4C0;
	s30 =	spop (v2sf);
	s14 =	sadd.s32 s3, s14  }
0x31: {  	(v2sf) =	vpush v0, $0xB;
	[tilespmem:s31], [sflag:$0x1] =	stream.strided.gather [hbm4b:s14+s8], $0x0, s12, s8, $0x38;
	[tilespmem:$0x8600] =	vst v63  }
0x32: {  	s13 =	sand.u32 $0x1FFFFFF0, s30  }
0x33: {  	[tilespmem:s31], [sflag:$0x1] =	stream.linear.gather [hbm4b:s14+s2], $0x20, $0x38;
	[tilespmem:$0x8600] =	vst v63  }
0x34: {  	s16 =	simm.s32 $0x4E0;
	s15 =	spop (v2sf);
	s13 =	sadd.s32 s3, s13  }
0x35: {  	(v2sf) =	vpush v0, $0xC;
	[tilespmem:s16], [sflag:$0x1] =	stream.strided.gather [hbm4b:s13+s8], $0x0, s12, s8, $0x38;
	[tilespmem:$0x8600] =	vst v63  }
0x36: {  	s14 =	sand.u32 $0x1FFFFFF0, s15  }
0x37: {  	[tilespmem:s16], [sflag:$0x1] =	stream.linear.gather [hbm4b:s13+s2], $0x20, $0x38;
	[tilespmem:$0x8600] =	vst v63  }
0x38: {  	s18 =	simm.s32 $0x500;
	s17 =	spop (v2sf);
	s14 =	sadd.s32 s3, s14  }
0x39: {  	(v2sf) =	vpush v0, $0xD;
	[tilespmem:s18], [sflag:$0x1] =	stream.strided.gather [hbm4b:s14+s8], $0x0, s12, s8, $0x38;
	[tilespmem:$0x8600] =	vst v63  }
0x3a: {  	s13 =	sand.u32 $0x1FFFFFF0, s17  }
0x3b: {  	[tilespmem:s18], [sflag:$0x1] =	stream.linear.gather [hbm4b:s14+s2], $0x20, $0x38;
	[tilespmem:$0x8600] =	vst v63  }
0x3c: {  	s20 =	simm.s32 $0x520;
	s19 =	spop (v2sf);
	s13 =	sadd.s32 s3, s13  }
0x3d: {  	(v2sf) =	vpush v0, $0xE;
	[tilespmem:s20], [sflag:$0x1] =	stream.strided.gather [hbm4b:s13+s8], $0x0, s12, s8, $0x38;
	[tilespmem:$0x8600] =	vst v63  }
0x3e: {  	s14 =	sand.u32 $0x1FFFFFF0, s19  }
0x3f: {  	[tilespmem:s20], [sflag:$0x1] =	stream.linear.gather [hbm4b:s13+s2], $0x20, $0x38;
	[tilespmem:$0x8600] =	vst v63  }
0x40: {  	s22 =	simm.s32 $0x540;
	s21 =	spop (v2sf);
	s14 =	sadd.s32 s3, s14  }
0x41: {  	(v2sf) =	vpush v0, $0xF;
	[tilespmem:s22], [sflag:$0x1] =	stream.strided.gather [hbm4b:s14+s8], $0x0, s12, s8, $0x38;
	[tilespmem:$0x8600] =	vst v63  }
0x42: {  	s13 =	sand.u32 $0x1FFFFFF0, s21  }
0x43: {  	[tilespmem:s22], [sflag:$0x1] =	stream.linear.gather [hbm4b:s14+s2], $0x20, $0x38;
	[tilespmem:$0x8600] =	vst v63  }
0x44: {  	s24 =	simm.s32 $0x560;
	s23 =	spop (v2sf);
	s13 =	sadd.s32 s3, s13  }
0x45: {  	[tilespmem:s24], [sflag:$0x1] =	stream.strided.gather [hbm4b:s13+s8], $0x0, s12, s8, $0x38;
	[tilespmem:$0x8600] =	vst v63  }
0x46: {  	s14 =	sand.u32 $0x1FFFFFF0, s23  }
0x47: {  	[tilespmem:s24], [sflag:$0x1] =	stream.linear.gather [hbm4b:s13+s2], $0x20, $0x38;
	[tilespmem:$0x8600] =	vst v63  }
0x48: {  	s26 =	simm.s32 $0x580;
	s25 =	spop (v2sf);
	s14 =	sadd.s32 s3, s14  }
0x49: {  	[tilespmem:s26], [sflag:$0x1] =	stream.strided.gather [hbm4b:s14+s8], $0x0, s12, s8, $0x38;
	[tilespmem:$0x8600] =	vst v63  }
0x4a: {  	s13 =	sand.u32 $0x1FFFFFF0, s25  }
0x4b: {  	[tilespmem:s26], [sflag:$0x1] =	stream.linear.gather [hbm4b:s14+s2], $0x20, $0x38;
	[tilespmem:$0x8600] =	vst v63  }
0x4c: {  	s29 =	simm.s32 $0x5A0;
	s28 =	spop (v2sf);
	s13 =	sadd.s32 s3, s13  }
0x4d: {  	[tilespmem:s29], [sflag:$0x1] =	stream.strided.gather [hbm4b:s13+s8], $0x0, s12, s8, $0x38;
	[tilespmem:$0x8600] =	vst v63  }
0x4e: {  	s30 =	simm.s32 $0x5C0;
	s14 =	sand.u32 $0x1FFFFFF0, s28  }
0x4f: {  	[tilespmem:s29], [sflag:$0x1] =	stream.linear.gather [hbm4b:s13+s2], $0x20, $0x38;
	[tilespmem:$0x8600] =	vst v63  }
0x50: {  	s15 =	simm.s32 $0x10;
	s16 =	spop (v2sf);
	s14 =	sadd.s32 s3, s14  }
0x51: {  	[tilespmem:s30], [sflag:$0x1] =	stream.strided.gather [hbm4b:s14+s8], $0x0, s12, s8, $0x38;
	[tilespmem:$0x8600] =	vst v63  }
0x52: {  	s17 =	simm.s32 $0x5E0;
	s31 =	sand.u32 $0x1FFFFFF0, s16;
	s16 =	simm.s32 $0x40  }
0x53: {  	[tilespmem:s30], [sflag:$0x1] =	stream.linear.gather [hbm4b:s14+s2], $0x20, $0x38;
	[tilespmem:$0x8600] =	vst v63  }
0x54: {  	s19 =	sadd.s32 s3, s31;
	s13 =	simm.s32 $0x800;
	s14 =	simm.s32 $0x1000  }
.LBB2_2:
0x55: {  	p0 =	sne.s32 s14, $0x1F800  }
0x56: {  	s18 =	sand.u32 $0xE00, s16;
	s20 =	smov.u32 s14;
	s14 =	sadd.s32 $0x800, s14  }
0x57: {  	[tilespmem:s17], [sflag:$0x1] =	stream.strided.gather [hbm4b:s19+s8], $0x0, s12, s8, $0x38;
	[tilespmem:$0x8600] =	vst v63  }
0x58: {  	s21 =	sand.u32 $0x70, s15;
	s18 =	sshrl.u32 s18, $0x2  }
0x59: {  	[tilespmem:s17], [sflag:$0x1] =	stream.linear.gather [hbm4b:s19+s2], $0x20, $0x38;
	[tilespmem:$0x8600] =	vst v63  }
0x5a: {  	s17 =	sor.u32 s21, s18  }
0x5b: {  	v0 =	vld [tilespmem:s17+$0x0];
	_ =	sdelay $0x4  }
0x5c: {  	v0 =	vshll.u32 v0, $0x4  }
0x5d: {  	(v2sf) =	vpush v0, $0x0  }
0x5e: {  	(v2sf) =	vpush v0, $0x1;
	_ =	sdelay $0x2  }
0x5f: {  	(v2sf) =	vpush v0, $0x2;
	_ =	sdelay $0x1  }
0x60: {  	(v2sf) =	vpush v0, $0x3;
	_ =	sdelay $0x1  }
0x61: {  	(v2sf) =	vpush v0, $0x4;
	_ =	sdelay $0x3  }
0x62: {  	(v2sf) =	vpush v0, $0x5;
	_ =	sdelay $0x2  }
0x63: {  	s18 =	sshra.s32 s13, $0x2;
	s13 =	spop (v2sf)  }
0x64: {  	s19 =	sadd.s32 $0x420, s18;
	s13 =	sand.u32 $0x1FFFFFF0, s13;
	s17 =	spop (v2sf);
	(v2sf) =	vpush v0, $0x6  }
0x65: {  	s21 =	sadd.s32 $0x400, s18;
	s22 =	sadd.s32 s3, s13;
	s23 =	sand.u32 $0x1FFFFFF0, s17  }
0x66: {  	[tilespmem:s21], [sflag:$0x1] =	stream.strided.gather [hbm4b:s22+s8], $0x0, s12, s8, $0x38;
	[tilespmem:$0x8600] =	vst v63  }
0x67: {  	s17 =	sadd.s32 $0x5E0, s18;
	s13 =	smov.u32 s20;
	s24 =	spop (v2sf)  }
0x68: {  	[tilespmem:s21], [sflag:$0x1] =	stream.linear.gather [hbm4b:s22+s2], $0x20, $0x38;
	(v2sf) =	vpush v0, $0x7;
	[tilespmem:$0x8600] =	vst v63  }
0x69: {  	s20 =	sadd.s32 s3, s23;
	s21 =	sand.u32 $0x1FFFFFF0, s24;
	s22 =	spop (v2sf)  }
0x6a: {  	[tilespmem:s19], [sflag:$0x1] =	stream.strided.gather [hbm4b:s20+s8], $0x0, s12, s8, $0x38;
	[tilespmem:$0x8600] =	vst v63  }
0x6b: {  	s22 =	sand.u32 $0x1FFFFFF0, s22;
	s23 =	spop (v2sf)  }
0x6c: {  	[tilespmem:s19], [sflag:$0x1] =	stream.linear.gather [hbm4b:s20+s2], $0x20, $0x38;
	(v2sf) =	vpush v0, $0x8;
	[tilespmem:$0x8600] =	vst v63  }
0x6d: {  	s19 =	sadd.s32 $0x440, s18;
	s20 =	sadd.s32 s3, s21;
	s21 =	sand.u32 $0x1FFFFFF0, s23  }
0x6e: {  	[tilespmem:s19], [sflag:$0x1] =	stream.strided.gather [hbm4b:s20+s8], $0x0, s12, s8, $0x38;
	[tilespmem:$0x8600] =	vst v63  }
0x6f: {  	s23 =	spop (v2sf)  }
0x70: {  	[tilespmem:s19], [sflag:$0x1] =	stream.linear.gather [hbm4b:s20+s2], $0x20, $0x38;
	(v2sf) =	vpush v0, $0x9;
	[tilespmem:$0x8600] =	vst v63  }
0x71: {  	s19 =	sadd.s32 $0x460, s18;
	s20 =	sadd.s32 s3, s22;
	s22 =	sand.u32 $0x1FFFFFF0, s23  }
0x72: {  	[tilespmem:s19], [sflag:$0x1] =	stream.strided.gather [hbm4b:s20+s8], $0x0, s12, s8, $0x38;
	[tilespmem:$0x8600] =	vst v63  }
0x73: {  	s23 =	spop (v2sf)  }
0x74: {  	[tilespmem:s19], [sflag:$0x1] =	stream.linear.gather [hbm4b:s20+s2], $0x20, $0x38;
	(v2sf) =	vpush v0, $0xA;
	[tilespmem:$0x8600] =	vst v63  }
0x75: {  	s19 =	sadd.s32 $0x480, s18;
	s20 =	sadd.s32 s3, s21;
	s21 =	sand.u32 $0x1FFFFFF0, s23  }
0x76: {  	[tilespmem:s19], [sflag:$0x1] =	stream.strided.gather [hbm4b:s20+s8], $0x0, s12, s8, $0x38;
	[tilespmem:$0x8600] =	vst v63  }
0x77: {  	s23 =	spop (v2sf)  }
0x78: {  	[tilespmem:s19], [sflag:$0x1] =	stream.linear.gather [hbm4b:s20+s2], $0x20, $0x38;
	(v2sf) =	vpush v0, $0xB;
	[tilespmem:$0x8600] =	vst v63  }
0x79: {  	s19 =	sadd.s32 $0x4A0, s18;
	s20 =	sadd.s32 s3, s22;
	s22 =	sand.u32 $0x1FFFFFF0, s23  }
0x7a: {  	[tilespmem:s19], [sflag:$0x1] =	stream.strided.gather [hbm4b:s20+s8], $0x0, s12, s8, $0x38;
	[tilespmem:$0x8600] =	vst v63  }
0x7b: {  	s23 =	spop (v2sf)  }
0x7c: {  	[tilespmem:s19], [sflag:$0x1] =	stream.linear.gather [hbm4b:s20+s2], $0x20, $0x38;
	(v2sf) =	vpush v0, $0xC;
	[tilespmem:$0x8600] =	vst v63  }
0x7d: {  	s19 =	sadd.s32 $0x4C0, s18;
	s20 =	sadd.s32 s3, s21;
	s21 =	sand.u32 $0x1FFFFFF0, s23  }
0x7e: {  	[tilespmem:s19], [sflag:$0x1] =	stream.strided.gather [hbm4b:s20+s8], $0x0, s12, s8, $0x38;
	[tilespmem:$0x8600] =	vst v63  }
0x7f: {  	s23 =	spop (v2sf)  }
0x80: {  	[tilespmem:s19], [sflag:$0x1] =	stream.linear.gather [hbm4b:s20+s2], $0x20, $0x38;
	(v2sf) =	vpush v0, $0xD;
	[tilespmem:$0x8600] =	vst v63  }
0x81: {  	s19 =	sadd.s32 $0x4E0, s18;
	s20 =	sadd.s32 s3, s22;
	s22 =	sand.u32 $0x1FFFFFF0, s23  }
0x82: {  	[tilespmem:s19], [sflag:$0x1] =	stream.strided.gather [hbm4b:s20+s8], $0x0, s12, s8, $0x38;
	[tilespmem:$0x8600] =	vst v63  }
0x83: {  	s23 =	spop (v2sf)  }
0x84: {  	[tilespmem:s19], [sflag:$0x1] =	stream.linear.gather [hbm4b:s20+s2], $0x20, $0x38;
	(v2sf) =	vpush v0, $0xE;
	[tilespmem:$0x8600] =	vst v63  }
0x85: {  	s19 =	sadd.s32 $0x500, s18;
	s20 =	sadd.s32 s3, s21;
	s21 =	sand.u32 $0x1FFFFFF0, s23  }
0x86: {  	[tilespmem:s19], [sflag:$0x1] =	stream.strided.gather [hbm4b:s20+s8], $0x0, s12, s8, $0x38;
	[tilespmem:$0x8600] =	vst v63  }
0x87: {  	s23 =	spop (v2sf)  }
0x88: {  	[tilespmem:s19], [sflag:$0x1] =	stream.linear.gather [hbm4b:s20+s2], $0x20, $0x38;
	(v2sf) =	vpush v0, $0xF;
	[tilespmem:$0x8600] =	vst v63  }
0x89: {  	s19 =	sadd.s32 $0x520, s18;
	s20 =	sadd.s32 s3, s22;
	s22 =	sand.u32 $0x1FFFFFF0, s23  }
0x8a: {  	[tilespmem:s19], [sflag:$0x1] =	stream.strided.gather [hbm4b:s20+s8], $0x0, s12, s8, $0x38;
	[tilespmem:$0x8600] =	vst v63  }
0x8b: {  	s23 =	spop (v2sf)  }
0x8c: {  	[tilespmem:s19], [sflag:$0x1] =	stream.linear.gather [hbm4b:s20+s2], $0x20, $0x38;
	[tilespmem:$0x8600] =	vst v63  }
0x8d: {  	s19 =	sadd.s32 $0x540, s18;
	s20 =	sadd.s32 s3, s21;
	s21 =	sand.u32 $0x1FFFFFF0, s23  }
0x8e: {  	[tilespmem:s19], [sflag:$0x1] =	stream.strided.gather [hbm4b:s20+s8], $0x0, s12, s8, $0x38;
	[tilespmem:$0x8600] =	vst v63  }
0x8f: {  	s23 =	spop (v2sf)  }
0x90: {  	[tilespmem:s19], [sflag:$0x1] =	stream.linear.gather [hbm4b:s20+s2], $0x20, $0x38;
	[tilespmem:$0x8600] =	vst v63  }
0x91: {  	s19 =	sadd.s32 $0x560, s18;
	s20 =	sadd.s32 s3, s22;
	s22 =	sand.u32 $0x1FFFFFF0, s23  }
0x92: {  	[tilespmem:s19], [sflag:$0x1] =	stream.strided.gather [hbm4b:s20+s8], $0x0, s12, s8, $0x38;
	[tilespmem:$0x8600] =	vst v63  }
0x93: {  	s23 =	spop (v2sf)  }
0x94: {  	[tilespmem:s19], [sflag:$0x1] =	stream.linear.gather [hbm4b:s20+s2], $0x20, $0x38;
	[tilespmem:$0x8600] =	vst v63  }
0x95: {  	s19 =	sadd.s32 $0x580, s18;
	s20 =	sadd.s32 s3, s21;
	s21 =	sand.u32 $0x1FFFFFF0, s23  }
0x96: {  	[tilespmem:s19], [sflag:$0x1] =	stream.strided.gather [hbm4b:s20+s8], $0x0, s12, s8, $0x38;
	[tilespmem:$0x8600] =	vst v63  }
0x97: {  	s23 =	spop (v2sf)  }
0x98: {  	[tilespmem:s19], [sflag:$0x1] =	stream.linear.gather [hbm4b:s20+s2], $0x20, $0x38;
	[tilespmem:$0x8600] =	vst v63  }
0x99: {  	s22 =	sadd.s32 s3, s22;
	s20 =	sadd.s32 $0x5A0, s18;
	s19 =	sand.u32 $0x1FFFFFF0, s23  }
0x9a: {  	[tilespmem:s20], [sflag:$0x1] =	stream.strided.gather [hbm4b:s22+s8], $0x0, s12, s8, $0x38;
	[tilespmem:$0x8600] =	vst v63  }
0x9b: {  	s19 =	sadd.s32 s3, s19  }
0x9c: {  	[tilespmem:s20], [sflag:$0x1] =	stream.linear.gather [hbm4b:s22+s2], $0x20, $0x38;
	[tilespmem:$0x8600] =	vst v63  }
.Ltmp0:
0x9d: {  	_ = 	snop;
	(pc) =	sbr.rel @p0 .LBB2_2-.Ltmp0, $4  }
0x9e: {  	s18 =	sadd.s32 $0x5C0, s18;
	s20 =	sadd.s32 s3, s21  }
0x9f: {  	[tilespmem:s18], [sflag:$0x1] =	stream.strided.gather [hbm4b:s20+s8], $0x0, s12, s8, $0x38;
	[tilespmem:$0x8600] =	vst v63  }
0xa0: {  	s15 =	sadd.s32 $0x10, s15;
	s16 =	sadd.s32 $0x40, s16  }
0xa1: {  	[tilespmem:s18], [sflag:$0x1] =	stream.linear.gather [hbm4b:s20+s2], $0x20, $0x38;
	[tilespmem:$0x8600] =	vst v63  }
0xa2: {  	s14 =	sand.u32 $0xE00, s16  }
0xa3: {  	[tilespmem:s17], [sflag:$0x1] =	stream.strided.gather [hbm4b:s19+s8], $0x0, s12, s8, $0x38;
	[tilespmem:$0x8600] =	vst v63  }
0xa4: {  	s28 =	sand.u32 $0x70, s15;
	s14 =	sshrl.u32 s14, $0x2  }
0xa5: {  	[tilespmem:s17], [sflag:$0x1] =	stream.linear.gather [hbm4b:s19+s2], $0x20, $0x38;
	[tilespmem:$0x8600] =	vst v63  }
0xa6: {  	s12 =	sor.u32 s28, s14  }
0xa7: {  	v0 =	vld [tilespmem:s12+$0x0];
	_ =	sdelay $0x4  }
0xa8: {  	v0 =	vshll.u32 v0, $0x4  }
0xa9: {  	(v2sf) =	vpush v0, $0x0;
	_ =	sdelay $0x1  }
0xaa: {  	(v2sf) =	vpush v0, $0x1;
	_ =	sdelay $0x3  }
0xab: {  	(v2sf) =	vpush v0, $0x2;
	_ =	sdelay $0x3  }
0xac: {  	(v2sf) =	vpush v0, $0x3;
	_ =	sdelay $0x3  }
0xad: {  	(v2sf) =	vpush v0, $0x4  }
0xae: {  	s13 =	sshra.s32 s13, $0x2;
	s29 =	spop (v2sf)  }
0xaf: {  	s31 =	sadd.s32 $0x400, s13;
	s14 =	sand.u32 $0x1FFFFFF0, s29  }
0xb0: {  	s12 =	simm.s32 $0x400;
	s30 =	spop (v2sf);
	s14 =	sadd.s32 s3, s14  }
0xb1: {  	(v2sf) =	vpush v0, $0x5;
	[tilespmem:s31], [sflag:$0x1] =	stream.strided.gather [hbm4b:s14+s8], $0x0, s12, s8, $0x38;
	[tilespmem:$0x8600] =	vst v63  }
0xb2: {  	s15 =	sand.u32 $0x1FFFFFF0, s30  }
0xb3: {  	[tilespmem:s31], [sflag:$0x1] =	stream.linear.gather [hbm4b:s14+s2], $0x20, $0x38;
	[tilespmem:$0x8600] =	vst v63  }
0xb4: {  	s17 =	sadd.s32 $0x420, s13;
	s18 =	spop (v2sf);
	s15 =	sadd.s32 s3, s15  }
0xb5: {  	(v2sf) =	vpush v0, $0x6;
	[tilespmem:s17], [sflag:$0x1] =	stream.strided.gather [hbm4b:s15+s8], $0x0, s12, s8, $0x38;
	[tilespmem:$0x8600] =	vst v63  }
0xb6: {  	s16 =	sand.u32 $0x1FFFFFF0, s18  }
0xb7: {  	[tilespmem:s17], [sflag:$0x1] =	stream.linear.gather [hbm4b:s15+s2], $0x20, $0x38;
	[tilespmem:$0x8600] =	vst v63  }
0xb8: {  	s20 =	sadd.s32 $0x440, s13;
	s19 =	spop (v2sf);
	s16 =	sadd.s32 s3, s16  }
0xb9: {  	(v2sf) =	vpush v0, $0x7;
	[tilespmem:s20], [sflag:$0x1] =	stream.strided.gather [hbm4b:s16+s8], $0x0, s12, s8, $0x38;
	[tilespmem:$0x8600] =	vst v63  }
0xba: {  	s14 =	sand.u32 $0x1FFFFFF0, s19  }
0xbb: {  	[tilespmem:s20], [sflag:$0x1] =	stream.linear.gather [hbm4b:s16+s2], $0x20, $0x38;
	[tilespmem:$0x8600] =	vst v63  }
0xbc: {  	s22 =	sadd.s32 $0x460, s13;
	s21 =	spop (v2sf);
	s14 =	sadd.s32 s3, s14  }
0xbd: {  	(v2sf) =	vpush v0, $0x8;
	[tilespmem:s22], [sflag:$0x1] =	stream.strided.gather [hbm4b:s14+s8], $0x0, s12, s8, $0x38;
	[tilespmem:$0x8600] =	vst v63  }
0xbe: {  	s15 =	sand.u32 $0x1FFFFFF0, s21  }
0xbf: {  	[tilespmem:s22], [sflag:$0x1] =	stream.linear.gather [hbm4b:s14+s2], $0x20, $0x38;
	[tilespmem:$0x8600] =	vst v63  }
0xc0: {  	s24 =	sadd.s32 $0x480, s13;
	s15 =	sadd.s32 s3, s15;
	s23 =	spop (v2sf)  }
0xc1: {  	(v2sf) =	vpush v0, $0x9;
	[tilespmem:s24], [sflag:$0x1] =	stream.strided.gather [hbm4b:s15+s8], $0x0, s12, s8, $0x38;
	[tilespmem:$0x8600] =	vst v63  }
0xc2: {  	s14 =	sand.u32 $0x1FFFFFF0, s23  }
0xc3: {  	[tilespmem:s24], [sflag:$0x1] =	stream.linear.gather [hbm4b:s15+s2], $0x20, $0x38;
	[tilespmem:$0x8600] =	vst v63  }
0xc4: {  	s26 =	sadd.s32 $0x4A0, s13;
	s25 =	spop (v2sf);
	s14 =	sadd.s32 s3, s14  }
0xc5: {  	(v2sf) =	vpush v0, $0xA;
	[tilespmem:s26], [sflag:$0x1] =	stream.strided.gather [hbm4b:s14+s8], $0x0, s12, s8, $0x38;
	[tilespmem:$0x8600] =	vst v63  }
0xc6: {  	s15 =	sand.u32 $0x1FFFFFF0, s25  }
0xc7: {  	[tilespmem:s26], [sflag:$0x1] =	stream.linear.gather [hbm4b:s14+s2], $0x20, $0x38;
	[tilespmem:$0x8600] =	vst v63  }
0xc8: {  	s29 =	sadd.s32 $0x4C0, s13;
	s28 =	spop (v2sf);
	s15 =	sadd.s32 s3, s15  }
0xc9: {  	(v2sf) =	vpush v0, $0xB;
	[tilespmem:s29], [sflag:$0x1] =	stream.strided.gather [hbm4b:s15+s8], $0x0, s12, s8, $0x38;
	[tilespmem:$0x8600] =	vst v63  }
0xca: {  	s14 =	sand.u32 $0x1FFFFFF0, s28  }
0xcb: {  	[tilespmem:s29], [sflag:$0x1] =	stream.linear.gather [hbm4b:s15+s2], $0x20, $0x38;
	[tilespmem:$0x8600] =	vst v63  }
0xcc: {  	s31 =	sadd.s32 $0x4E0, s13;
	s30 =	spop (v2sf);
	s14 =	sadd.s32 s3, s14  }
0xcd: {  	(v2sf) =	vpush v0, $0xC;
	[tilespmem:s31], [sflag:$0x1] =	stream.strided.gather [hbm4b:s14+s8], $0x0, s12, s8, $0x38;
	[tilespmem:$0x8600] =	vst v63  }
0xce: {  	s15 =	sand.u32 $0x1FFFFFF0, s30  }
0xcf: {  	[tilespmem:s31], [sflag:$0x1] =	stream.linear.gather [hbm4b:s14+s2], $0x20, $0x38;
	[tilespmem:$0x8600] =	vst v63  }
0xd0: {  	s18 =	sadd.s32 $0x500, s13;
	s17 =	spop (v2sf);
	s15 =	sadd.s32 s3, s15  }
0xd1: {  	(v2sf) =	vpush v0, $0xD;
	[tilespmem:s18], [sflag:$0x1] =	stream.strided.gather [hbm4b:s15+s8], $0x0, s12, s8, $0x38;
	[tilespmem:$0x8600] =	vst v63  }
0xd2: {  	s14 =	sand.u32 $0x1FFFFFF0, s17  }
0xd3: {  	[tilespmem:s18], [sflag:$0x1] =	stream.linear.gather [hbm4b:s15+s2], $0x20, $0x38;
	[tilespmem:$0x8600] =	vst v63  }
0xd4: {  	s20 =	sadd.s32 $0x520, s13;
	s19 =	spop (v2sf);
	s14 =	sadd.s32 s3, s14  }
0xd5: {  	(v2sf) =	vpush v0, $0xE;
	[tilespmem:s20], [sflag:$0x1] =	stream.strided.gather [hbm4b:s14+s8], $0x0, s12, s8, $0x38;
	[tilespmem:$0x8600] =	vst v63  }
0xd6: {  	s15 =	sand.u32 $0x1FFFFFF0, s19  }
0xd7: {  	[tilespmem:s20], [sflag:$0x1] =	stream.linear.gather [hbm4b:s14+s2], $0x20, $0x38;
	[tilespmem:$0x8600] =	vst v63  }
0xd8: {  	s22 =	sadd.s32 $0x540, s13;
	s21 =	spop (v2sf);
	s15 =	sadd.s32 s3, s15  }
0xd9: {  	(v2sf) =	vpush v0, $0xF;
	[tilespmem:s22], [sflag:$0x1] =	stream.strided.gather [hbm4b:s15+s8], $0x0, s12, s8, $0x38;
	[tilespmem:$0x8600] =	vst v63  }
0xda: {  	s14 =	sand.u32 $0x1FFFFFF0, s21  }
0xdb: {  	[tilespmem:s22], [sflag:$0x1] =	stream.linear.gather [hbm4b:s15+s2], $0x20, $0x38;
	[tilespmem:$0x8600] =	vst v63  }
0xdc: {  	s24 =	sadd.s32 $0x560, s13;
	s23 =	spop (v2sf);
	s14 =	sadd.s32 s3, s14  }
0xdd: {  	[tilespmem:s24], [sflag:$0x1] =	stream.strided.gather [hbm4b:s14+s8], $0x0, s12, s8, $0x38;
	[tilespmem:$0x8600] =	vst v63  }
0xde: {  	s15 =	sand.u32 $0x1FFFFFF0, s23  }
0xdf: {  	[tilespmem:s24], [sflag:$0x1] =	stream.linear.gather [hbm4b:s14+s2], $0x20, $0x38;
	[tilespmem:$0x8600] =	vst v63  }
0xe0: {  	s26 =	sadd.s32 $0x580, s13;
	s25 =	spop (v2sf);
	s15 =	sadd.s32 s3, s15  }
0xe1: {  	[tilespmem:s26], [sflag:$0x1] =	stream.strided.gather [hbm4b:s15+s8], $0x0, s12, s8, $0x38;
	[tilespmem:$0x8600] =	vst v63  }
0xe2: {  	s14 =	sand.u32 $0x1FFFFFF0, s25  }
0xe3: {  	[tilespmem:s26], [sflag:$0x1] =	stream.linear.gather [hbm4b:s15+s2], $0x20, $0x38;
	[tilespmem:$0x8600] =	vst v63  }
0xe4: {  	s29 =	sadd.s32 $0x5A0, s13;
	s28 =	spop (v2sf);
	s14 =	sadd.s32 s3, s14  }
0xe5: {  	[tilespmem:s29], [sflag:$0x1] =	stream.strided.gather [hbm4b:s14+s8], $0x0, s12, s8, $0x38;
	[tilespmem:$0x8600] =	vst v63  }
0xe6: {  	s15 =	sand.u32 $0x1FFFFFF0, s28  }
0xe7: {  	[tilespmem:s29], [sflag:$0x1] =	stream.linear.gather [hbm4b:s14+s2], $0x20, $0x38;
	[tilespmem:$0x8600] =	vst v63  }
0xe8: {  	s31 =	sadd.s32 $0x5C0, s13;
	s30 =	spop (v2sf);
	s15 =	sadd.s32 s3, s15  }
0xe9: {  	[tilespmem:s31], [sflag:$0x1] =	stream.strided.gather [hbm4b:s15+s8], $0x0, s12, s8, $0x38;
	[tilespmem:$0x8600] =	vst v63  }
0xea: {  	s14 =	sand.u32 $0x1FFFFFF0, s30  }
0xeb: {  	[tilespmem:s31], [sflag:$0x1] =	stream.linear.gather [hbm4b:s15+s2], $0x20, $0x38;
	[tilespmem:$0x8600] =	vst v63  }
0xec: {  	s13 =	sadd.s32 $0x5E0, s13;
	s14 =	sadd.s32 s3, s14  }
0xed: {  	[tilespmem:s13], [sflag:$0x1] =	stream.strided.gather [hbm4b:s14+s8], $0x0, s12, s8, $0x38;
	[tilespmem:$0x8600] =	vst v63  }
0xee: {  	_ = 	snop  }
0xef: {  	[tilespmem:s13], [sflag:$0x1] =	stream.linear.gather [hbm4b:s14+s2], $0x20, $0x38;
	[tilespmem:$0x8600] =	vst v63  }
.LBB2_4:
0xf0: {  	p0 =	sne.s32 s12, $0x1  }
.Ltmp1:
0xf1: {  	_ = 	snop;
	(pc) =	sbr.rel @p0 .LBB2_4-.Ltmp1, $4  }
0xf2: {  	_ = 	snop  }
0xf3: {  	_ =	swait.ge [sflag:s9], $0x20  }
0xf4: {  	[sflag:s9] =	ssyncset.done $0x0  }
0xf5: {  	s12 =	sadd.s32 $0xFFFFFFFF, s12;
	[sflag:s9] =	ssyncadd.s32 $0xFFFFFFE0  }
0xf6: {  	s12 =	simm.s32 $0x0;
	s13 =	simm.s32 $0x600  }
.LBB2_6:
0xf7: {  	v0 =	vld [tilespmem:s13+$0xFFFFFE00]  }
0xf8: {  	v1 =	vld [tilespmem:s13+$0xFFFFFE10]  }
0xf9: {  	v2 =	vld [tilespmem:s13+$0xFFFFFE20]  }
0xfa: {  	v3 =	vld [tilespmem:s13+$0xFFFFFE30]  }
0xfb: {  	v4 =	vld [tilespmem:s13+$0xFFFFFE40]  }
0xfc: {  	v5 =	vld [tilespmem:s13+$0xFFFFFE50]  }
0xfd: {  	v6 =	vld [tilespmem:s13+$0xFFFFFE60]  }
0xfe: {  	v7 =	vld [tilespmem:s13+$0xFFFFFE70]  }
0xff: {  	v8 =	vld [tilespmem:s13+$0xFFFFFE80]  }
0x100: {  	v9 =	vld [tilespmem:s13+$0xFFFFFE90]  }
0x101: {  	v10 =	vld [tilespmem:s13+$0xFFFFFEA0]  }
0x102: {  	v11 =	vld [tilespmem:s13+$0xFFFFFEB0]  }
0x103: {  	v12 =	vld [tilespmem:s13+$0xFFFFFEC0];
	v13 =	vmul.f32 v2, v0  }
0x104: {  	v15 =	vld [tilespmem:s13+$0xFFFFFED0];
	v14 =	vmul.f32 v3, v1;
	v0 =	vmul.f32 v0, v0  }
0x105: {  	v16 =	vld [tilespmem:s13+$0xFFFFFEE0];
	v1 =	vmul.f32 v1, v1;
	v2 =	vmul.f32 v2, v2  }
0x106: {  	v35 =	vld [tilespmem:s13+$0xFFFFFEF0];
	v3 =	vmul.f32 v3, v3;
	v36 =	vmul.f32 v6, v4  }
0x107: {  	v18 =	vld [tilespmem:s13+$0xFFFFFF00];
	v17 =	vmul.f32 v7, v5;
	v37 =	vmul.f32 v4, v4;
	v13 =	vadd.f32 v14, v13  }
0x108: {  	v39 =	vld [tilespmem:s13+$0xFFFFFF10];
	v38 =	vmul.f32 v5, v5;
	v41 =	vmul.f32 v6, v6;
	v0 =	vadd.f32 v1, v0  }
0x109: {  	v43 =	vld [tilespmem:s13+$0xFFFFFF20];
	v42 =	vmul.f32 v7, v7;
	v45 =	vmul.f32 v10, v8;
	v2 =	vadd.f32 v3, v2;
	(xrf2) =	vadd.scan.msk.f32 $0xffff, v13  }
0x10a: {  	v47 =	vld [tilespmem:s13+$0xFFFFFF30];
	v46 =	vmul.f32 v11, v9;
	v49 =	vmul.f32 v8, v8;
	v40 =	vadd.f32 v17, v36;
	(xrf2) =	vadd.scan.msk.f32 $0xffff, v0  }
0x10b: {  	v50 =	vmul.f32 v9, v9;
	v53 =	vmul.f32 v10, v10;
	v44 =	vadd.f32 v38, v37;
	(xrf2) =	vadd.scan.msk.f32 $0xffff, v2  }
0x10c: {  	v55 =	vld [tilespmem:s13+$0xFFFFFF50];
	v54 =	vmul.f32 v11, v11;
	v57 =	vmul.f32 v16, v12;
	v48 =	vadd.f32 v42, v41;
	(xrf2) =	vadd.scan.msk.f32 $0xffff, v40  }
0x10d: {  	v63 =	vld [tilespmem:s13+$0xFFFFFF70];
	v58 =	vmul.f32 v35, v15;
	v61 =	vmul.f32 v12, v12;
	v52 =	vadd.f32 v46, v45;
	(xrf2) =	vadd.scan.msk.f32 $0xffff, v44  }
0x10e: {  	v51 =	vld [tilespmem:s13+$0xFFFFFF40];
	v62 =	vmul.f32 v15, v15;
	v19 =	vmul.f32 v35, v35;
	v56 =	vadd.f32 v50, v49;
	(xrf2) =	vadd.scan.msk.f32 $0xffff, v48  }
0x10f: {  	v59 =	vld [tilespmem:s13+$0xFFFFFF60];
	v21 =	vmul.f32 v43, v18;
	v22 =	vmul.f32 v47, v39;
	v60 =	vadd.f32 v54, v53;
	(xrf2) =	vadd.scan.msk.f32 $0xffff, v52  }
0x110: {  	v34 =	vld [tilespmem:s13+$0xFFFFFF80];
	v23 =	vmul.f32 v18, v18;
	v15 =	vadd.f32 v58, v57;
	v17 =	vmul.f32 v16, v16;
	(xrf2) =	vadd.scan.msk.f32 $0xffff, v56  }
0x111: {  	v5 =	vmul.f32 v39, v39;
	v25 =	vmul.f32 v43, v43;
	v43 =	vld [tilespmem:s13+$0xFFFFFFB0];
	v20 =	vadd.f32 v62, v61;
	(xrf2) =	vadd.scan.msk.f32 $0xffff, v60  }
0x112: {  	v29 =	vmul.f32 v63, v55;
	v33 =	vmul.f32 v55, v55;
	v55 =	vld [tilespmem:s13+$0x60];
	v1 =	vadd.f32 v19, v17;
	(xrf2) =	vadd.scan.msk.f32 $0xffff, v15  }
0x113: {  	v18 =	vld [tilespmem:s13+$0xE0];
	v24 =	vadd.f32 v22, v21;
	v0, _, _ =	vpop (xrf2);
	(xrf2) =	vadd.scan.msk.f32 $0xffff, v20  }
0x114: {  	v26 =	vmul.f32 v47, v47;
	v5 =	vadd.f32 v5, v23;
	v38 =	vld [tilespmem:s13+$0xFFFFFF90];
	v27, _, _ =	vpop (xrf2);
	(xrf2) =	vadd.scan.msk.f32 $0xffff, v1  }
0x115: {  	v22 =	vld [tilespmem:s13+$0x10];
	v30, _, _ =	vpop (xrf2);
	(xrf2) =	vadd.scan.msk.f32 $0xffff, v24  }
0x116: {  	v32 =	vmul.f32 v51, v51;
	v31 =	vadd.f32 v26, v25;
	v25 =	vld [tilespmem:s13+$0x30];
	v1, _, _ =	vpop (xrf2);
	(xrf2) =	vadd.scan.msk.f32 $0xffff, v5  }
0x117: {  	v28 =	vmul.f32 v59, v51;
	v40 =	vld [tilespmem:s13+$0xFFFFFFA0];
	v39, _, _ =	vpop (xrf2)  }
0x118: {  	v36 =	vmul.f32 v59, v59;
	v37 =	vmul.f32 v63, v63;
	v3 =	vadd.f32 v33, v32;
	v49 =	vld [tilespmem:s13+$0xFFFFFFF0];
	v41, _, _ =	vpop (xrf2)  }
0x119: {  	v35 =	vadd.f32 v29, v28;
	v46 =	vld [tilespmem:s13+$0xFFFFFFD0];
	v14 =	vmul.f32 v34, v34;
	v6 =	vmul.f32 v43, v43;
	v2, _, _ =	vpop (xrf2)  }
0x11a: {  	v23 =	vld [tilespmem:s13+$0x20];
	v29 =	vmul.f32 v43, v38;
	v10 =	vmul.f32 v38, v38;
	(xrf2) =	vadd.scan.msk.f32 $0xffff, v31;
	v45, _, _ =	vpop (xrf2)  }
0x11b: {  	v28 =	vld [tilespmem:s13+$0x40];
	v42 =	vadd.f32 v37, v36;
	v37 =	vmul.f32 v25, v22;
	v43 =	vmul.f32 v25, v25;
	(xrf2) =	vadd.scan.msk.f32 $0xffff, v35;
	v47, _, _ =	vpop (xrf2)  }
0x11c: {  	v44 =	vld [tilespmem:s13+$0xFFFFFFC0];
	v60 =	vmul.f32 v40, v34;
	v12 =	vmul.f32 v40, v40;
	(xrf2) =	vadd.scan.msk.f32 $0xffff, v3;
	v3, _, _ =	vpop (xrf2)  }
0x11d: {  	v48 =	vld [tilespmem:s13+$0xFFFFFFE0];
	v34 =	vmul.f32 v49, v49;
	v40 =	vmul.f32 v22, v22;
	v19, _, _ =	vpop (xrf2)  }
0x11e: {  	v58 =	vld [tilespmem:s13+$0x70];
	v7 =	vbroadcast v27, $0xF;
	v9 =	vbroadcast v39, $0xF;
	v21, _, _ =	vpop (xrf2)  }
0x11f: {  	v10 =	vadd.f32 v10, v14;
	v20 =	vld [tilespmem:s13+$0x0];
	v13 =	vbroadcast v30, $0xF;
	v26 =	vbroadcast v45, $0xF;
	v4, _, _ =	vpop (xrf2)  }
0x120: {  	v59 =	vld [tilespmem:s13+$0x80];
	v11 =	vbroadcast v41, $0xF;
	(xrf2) =	vadd.scan.msk.f32 $0xffff, v42;
	v7 =	vsel vm0, v7, v9;
	v51 =	vbroadcast v19, $0xF;
	v24, _, _ =	vpop (xrf2)  }
0x121: {  	v61 =	vld [tilespmem:s13+$0xA0];
	v63 =	vmul.f32 v44, v44;
	v7 =	vsel vm1, v7, v26;
	v24 =	vbroadcast v24, $0xF  }
0x122: {  	v52 =	vld [tilespmem:s13+$0x50];
	v62 =	vmul.f32 v48, v44;
	v50 =	vsel vm0, v13, v11;
	v11 =	vsel vm2, v7, v51  }
0x123: {  	v32 =	vld [tilespmem:s13+$0xC0];
	v33 =	vmul.f32 v48, v48;
	v11 =	vsel vm3, v11, v24;
	v24 =	vadd.f32 v29, v60  }
0x124: {  	v16 =	vld [tilespmem:s13+$0xD0];
	v6 =	vadd.f32 v6, v12;
	v31 =	vmul.f32 v49, v46;
	v36 =	vmul.f32 v23, v20  }
0x125: {  	v25 =	vld [tilespmem:s13+$0x190];
	v48 =	vmul.f32 v28, v28;
	v38 =	vadd.f32 v34, v33;
	v27, _, _ =	vpop (xrf2);
	(xrf2) =	vadd.scan.msk.f32 $0xffff, v24;
	v24 =	vmul.f32 v46, v46  }
0x126: {  	v22 =	vld [tilespmem:s13+$0x110];
	v39 =	vmul.f32 v20, v20;
	v31 =	vadd.f32 v31, v62;
	v41 =	vadd.f32 v37, v36;
	v5, _, _ =	vpop (xrf2);
	(xrf2) =	vadd.scan.msk.f32 $0xffff, v10  }
0x127: {  	v30 =	vld [tilespmem:s13+$0x90];
	v42 =	vmul.f32 v23, v23;
	v13 =	vmul.f32 v52, v52;
	v54, _, _ =	vpop (xrf2);
	(xrf2) =	vadd.scan.msk.f32 $0xffff, v6;
	v35 =	vadd.f32 v24, v63  }
0x128: {  	v44 =	vadd.f32 v40, v39;
	v45 =	vmul.f32 v55, v28;
	v8 =	vbroadcast v47, $0xF;
	v29 =	vld [tilespmem:s13+$0xB0];
	(xrf2) =	vadd.scan.msk.f32 $0xffff, v31  }
0x129: {  	v49 =	vld [tilespmem:s13+$0x130];
	v47 =	vadd.f32 v43, v42;
	v12 =	vadd.f32 v13, v48;
	v53 =	vbroadcast v21, $0xF;
	(xrf2) =	vadd.scan.msk.f32 $0xffff, v35  }
0x12a: {  	v20 =	vld [tilespmem:s13+$0x100];
	v8 =	vsel vm1, v50, v8;
	v51 =	vmul.f32 v55, v55;
	v57, _, _ =	vpop (xrf2);
	v46 =	vmul.f32 v58, v52;
	(xrf2) =	vadd.scan.msk.f32 $0xffff, v38  }
0x12b: {  	v9 =	vsel vm2, v8, v53;
	v53 =	vmul.f32 v61, v59;
	v56 =	vbroadcast v27, $0xF;
	v24 =	vld [tilespmem:s13+$0xF0];
	(xrf2) =	vadd.scan.msk.f32 $0xffff, v41  }
0x12c: {  	v23 =	vld [tilespmem:s13+$0x120];
	v8 =	vbroadcast v54, $0xF;
	v52 =	vmul.f32 v58, v58;
	v50 =	vadd.f32 v46, v45;
	(xrf2) =	vadd.scan.msk.f32 $0xffff, v44  }
0x12d: {  	v40 =	vld [tilespmem:s13+$0x1A0];
	v9 =	vsel vm3, v9, v56;
	v7 =	vbroadcast v57, $0xF;
	v54 =	vmul.f32 v29, v30;
	(xrf2) =	vadd.scan.msk.f32 $0xffff, v47  }
0x12e: {  	v21 =	vld [tilespmem:s13+$0x140];
	v57 =	vmul.f32 v59, v59;
	v58 =	vmul.f32 v30, v30;
	v56 =	vadd.f32 v52, v51;
	(xrf2) =	vadd.scan.msk.f32 $0xffff, v50  }
0x12f: {  	v55 =	vld [tilespmem:s13+$0x150];
	v61 =	vmul.f32 v61, v61;
	v62 =	vmul.f32 v29, v29;
	v60 =	vadd.f32 v54, v53;
	v6, _, _ =	vpop (xrf2);
	(xrf2) =	vadd.scan.msk.f32 $0xffff, v12  }
0x130: {  	v33 =	vmul.f32 v18, v32;
	v59 =	vld [tilespmem:s13+$0x160];
	v14 =	vadd.f32 v58, v57;
	v34 =	vmul.f32 v24, v16;
	v28, _, _ =	vpop (xrf2);
	(xrf2) =	vadd.scan.msk.f32 $0xffff, v56  }
0x131: {  	v36 =	vmul.f32 v32, v32;
	v63 =	vld [tilespmem:s13+$0x170];
	v35 =	vadd.f32 v62, v61;
	v16 =	vmul.f32 v16, v16;
	v31, _, _ =	vpop (xrf2);
	(xrf2) =	vadd.scan.msk.f32 $0xffff, v60  }
0x132: {  	v48 =	vld [tilespmem:s13+$0x1D0];
	v38 =	vmul.f32 v18, v18;
	v39 =	vmul.f32 v24, v24;
	v37 =	vadd.f32 v34, v33;
	v10, _, _ =	vpop (xrf2);
	(xrf2) =	vadd.scan.msk.f32 $0xffff, v14  }
0x133: {  	v42 =	vmul.f32 v49, v22;
	v30 =	vld [tilespmem:s13+$0x180];
	v41 =	vmul.f32 v23, v20;
	v13 =	vadd.f32 v16, v36;
	v29, _, _ =	vpop (xrf2);
	(xrf2) =	vadd.scan.msk.f32 $0xffff, v35  }
0x134: {  	v45 =	vmul.f32 v22, v22;
	v44 =	vmul.f32 v20, v20;
	v33 =	vld [tilespmem:s13+$0x1B0];
	v43 =	vadd.f32 v39, v38;
	v34, _, _ =	vpop (xrf2);
	(xrf2) =	vadd.scan.msk.f32 $0xffff, v37  }
0x135: {  	v15 =	vmul.f32 v49, v49;
	v52 =	vld [tilespmem:s13+$0x1E0];
	v46 =	vadd.f32 v42, v41;
	v47 =	vmul.f32 v23, v23;
	v12, _, _ =	vpop (xrf2);
	(xrf2) =	vadd.scan.msk.f32 $0xffff, v13  }
0x136: {  	v20 =	vld [tilespmem:s13+$0x1C0];
	v51 =	vmul.f32 v63, v55;
	v49 =	vadd.f32 v45, v44;
	v50 =	vmul.f32 v59, v21;
	v23, _, _ =	vpop (xrf2);
	(xrf2) =	vadd.scan.msk.f32 $0xffff, v43  }
0x137: {  	v54 =	vmul.f32 v21, v21;
	v55 =	vmul.f32 v55, v55;
	v53 =	vadd.f32 v15, v47;
	v56 =	vld [tilespmem:s13+$0x1F0];
	v35, _, _ =	vpop (xrf2);
	(xrf2) =	vadd.scan.msk.f32 $0xffff, v46  }
0x138: {  	v58 =	vmul.f32 v59, v59;
	v59 =	vmul.f32 v63, v63;
	v57 =	vadd.f32 v51, v50;
	v27, _, _ =	vpop (xrf2);
	(xrf2) =	vadd.scan.msk.f32 $0xffff, v49  }
0x139: {  	v61 =	vmul.f32 v40, v30;
	v60 =	vadd.f32 v55, v54;
	v62 =	vmul.f32 v33, v25;
	v19, _, _ =	vpop (xrf2);
	(xrf2) =	vadd.scan.msk.f32 $0xffff, v53  }
0x13a: {  	v36 =	vmul.f32 v30, v30;
	v63 =	vadd.f32 v59, v58;
	v37 =	vmul.f32 v25, v25;
	v26, _, _ =	vpop (xrf2);
	(xrf2) =	vadd.scan.msk.f32 $0xffff, v57  }
0x13b: {  	v39 =	vmul.f32 v40, v40;
	v40 =	vmul.f32 v33, v33;
	v38 =	vadd.f32 v62, v61;
	v25, _, _ =	vpop (xrf2);
	(xrf2) =	vadd.scan.msk.f32 $0xffff, v60  }
0x13c: {  	v44 =	vmul.f32 v56, v48;
	v42 =	vadd.f32 v37, v36;
	v43 =	vmul.f32 v52, v20;
	v41, _, _ =	vpop (xrf2);
	(xrf2) =	vadd.scan.msk.f32 $0xffff, v63  }
0x13d: {  	v47 =	vmul.f32 v20, v20;
	v48 =	vmul.f32 v48, v48;
	v46 =	vadd.f32 v40, v39;
	v45, _, _ =	vpop (xrf2);
	(xrf2) =	vadd.scan.msk.f32 $0xffff, v38  }
0x13e: {  	v50 =	vmul.f32 v52, v52;
	v51 =	vmul.f32 v56, v56;
	v49 =	vadd.f32 v44, v43;
	v20, _, _ =	vpop (xrf2);
	(xrf2) =	vadd.scan.msk.f32 $0xffff, v42  }
0x13f: {  	v8 =	vsel vm4, v11, v8;
	v54 =	vbroadcast v28, $0xF;
	v53 =	vadd.f32 v48, v47;
	v52, _, _ =	vpop (xrf2);
	(xrf2) =	vadd.scan.msk.f32 $0xffff, v46  }
0x140: {  	v7 =	vsel vm4, v9, v7;
	v58 =	vbroadcast v29, $0xF;
	v56 =	vadd.f32 v51, v50;
	v55, _, _ =	vpop (xrf2);
	(xrf2) =	vadd.scan.msk.f32 $0xffff, v49  }
0x141: {  	v8 =	vsel vm5, v8, v54;
	v59 =	vbroadcast v34, $0xF;
	v57 =	vbroadcast v31, $0xF;
	v15, _, _ =	vpop (xrf2);
	(xrf2) =	vadd.scan.msk.f32 $0xffff, v53  }
0x142: {  	v8 =	vsel vm6, v8, v58;
	v61 =	vbroadcast v35, $0xF;
	v60 =	vbroadcast v23, $0xF;
	v62, _, _ =	vpop (xrf2);
	(xrf2) =	vadd.scan.msk.f32 $0xffff, v56  }
0x143: {  	v28 =	vbroadcast v19, $0xF;
	v31 =	vbroadcast v26, $0xF;
	v7 =	vsel vm5, v7, v57;
	v63, _, _ =	vpop (xrf2)  }
0x144: {  	v7 =	vsel vm6, v7, v59;
	v8 =	vsel vm7, v8, v60;
	v33 =	vbroadcast v41, $0xF;
	v29, _, _ =	vpop (xrf2)  }
0x145: {  	v7 =	vsel vm7, v7, v61;
	v8 =	vsel vm8, v8, v28;
	v34 =	vbroadcast v45, $0xF;
	v32, _, _ =	vpop (xrf2)  }
0x146: {  	v7 =	vsel vm8, v7, v31;
	v11 =	vbroadcast v52, $0xF;
	v9 =	vbroadcast v55, $0xF;
	v35, _, _ =	vpop (xrf2)  }
0x147: {  	v8 =	vsel vm9, v8, v33;
	v7 =	vsel vm9, v7, v34;
	v37 =	vbroadcast v62, $0xF;
	v36, _, _ =	vpop (xrf2)  }
0x148: {  	v8 =	vsel vm10, v8, v11;
	v7 =	vsel vm10, v7, v9;
	v39 =	vbroadcast v63, $0xF;
	v38, _, _ =	vpop (xrf2)  }
0x149: {  	v8 =	vsel vm11, v8, v37;
	v41 =	vbroadcast v32, $0xF;
	v42 =	vbroadcast v35, $0xF;
	v40, _, _ =	vpop (xrf2)  }
0x14a: {  	v7 =	vsel vm11, v7, v39;
	v44 =	vbroadcast v38, $0xF;
	v43, _, _ =	vpop (xrf2);
	v11 =	vbroadcast v40, $0xF  }
0x14b: {  	v8 =	vsel vm12, v8, v41;
	v7 =	vsel vm12, v7, v42;
	v45, _, _ =	vpop (xrf2)  }
0x14c: {  	v8 =	vsel vm13, v8, v44;
	v7 =	vsel vm13, v7, v11;
	v46, _, _ =	vpop (xrf2)  }
0x14d: {  	v8 =	vsel vm14, v8, v45;
	v7 =	vsel vm14, v7, v46  }
0x14e: {  	v8 =	vmax.f32 v8, $1.000000020e-16;
	v7 =	vmax.f32 v7, $1.000000020e-16  }
0x14f: {  	v7 =	vmul.f32 v7, v8;
	_ =	sdelay $0x1  }
0x150: {  	v8 =	vshrl.u32 v7, $0x1;
	v7 =	vmul.f32 $5.000000000e-01, v7  }
0x151: {  	v8 =	vsub.s32 $0x5F3759DF, v8  }
0x152: {  	v47 =	vmul.f32 v8, v7;
	_ =	sdelay $0x1  }
0x153: {  	v9 =	vmul.f32 v8, v47;
	_ =	sdelay $0x1  }
0x154: {  	v9 =	vsub.f32 $1.500000000e+00, v9;
	_ =	sdelay $0x1  }
0x155: {  	v8 =	vmul.f32 v8, v9  }
0x156: {  	v0 =	vbroadcast v0, $0xF;
	v1 =	vbroadcast v1, $0xF  }
0x157: {  	v2 =	vbroadcast v2, $0xF;
	v9 =	vmul.f32 v8, v7  }
0x158: {  	v0 =	vsel vm0, v0, v1;
	v48 =	vbroadcast v3, $0xF  }
0x159: {  	v0 =	vsel vm1, v0, v2;
	v49 =	vbroadcast v4, $0xF;
	v50 =	vmul.f32 v9, v8  }
0x15a: {  	v51 =	vbroadcast v5, $0xF;
	v0 =	vsel vm2, v0, v48  }
0x15b: {  	v52 =	vbroadcast v6, $0xF;
	v0 =	vsel vm3, v0, v49;
	v3 =	vsub.f32 $1.500000000e+00, v50  }
0x15c: {  	v53 =	vbroadcast v10, $0xF;
	v0 =	vsel vm4, v0, v51  }
0x15d: {  	v55 =	vbroadcast v12, $0xF;
	v0 =	vsel vm5, v0, v52;
	v54 =	vmul.f32 v3, v8  }
0x15e: {  	v56 =	vbroadcast v27, $0xF;
	v0 =	vsel vm6, v0, v53  }
0x15f: {  	v57 =	vbroadcast v25, $0xF;
	v0 =	vsel vm7, v0, v55;
	v58 =	vmul.f32 v54, v7  }
0x160: {  	v59 =	vbroadcast v20, $0xF;
	v0 =	vsel vm8, v0, v56  }
0x161: {  	v60 =	vbroadcast v15, $0xF;
	v0 =	vsel vm9, v0, v57;
	v4 =	vmul.f32 v58, v54  }
0x162: {  	v61 =	vbroadcast v29, $0xF;
	v0 =	vsel vm10, v0, v59  }
0x163: {  	v62 =	vbroadcast v36, $0xF;
	v0 =	vsel vm11, v0, v60;
	v4 =	vsub.f32 $1.500000000e+00, v4  }
0x164: {  	v0 =	vsel vm12, v0, v61  }
0x165: {  	v0 =	vsel vm13, v0, v62;
	v63 =	vmul.f32 v4, v54  }
0x166: {  	v0 =	vsel vm14, v0, v43  }
0x167: {  	v0 =	vmul.f32 v63, v0  }
0x168: {  	p0 =	sne.s32 s12, $0x7C0  }
.Ltmp2:
0x169: {  	v0 =	vmul.f32 $5.000000000e-01, v0;
	(pc) =	sbr.rel @p0 .LBB2_6-.Ltmp2, $4  }
0x16a: {  	_ = 	snop  }
0x16b: {  	v0 =	vadd.f32 $5.000000000e-01, v0  }
0x16c: {  	s14 =	sshra.s32 s12, $0x2  }
0x16d: {  	s12 =	sadd.s32 $0x40, s12;
	s13 =	sadd.s32 $0x400, s13;
	[tilespmem:s14+$0x8400] =	vst v0  }
0x16e: {  	s11 =	sadd.s32 $0x1, s11  }
0x16f: {  	p0 =	sne.s32 s11, s6  }
.Ltmp3:
0x170: {  	_ = 	snop;
	(pc) =	sbr.rel @p0 .LBB2_1-.Ltmp3, $4  }
0x171: {  	[hbm4b:s5+s2] =	stream.linear.scatter [tilespmem:s10], [sflag:$0x2], $0x200, $0x38;
	[tilespmem:$0x8600] =	vst v63  }
0x172: {  	_ =	swait.ge [sflag:s7], $0x200  }
0x173: {  	[sflag:s7] =	ssyncset.done $0x0  }
0x174: {  	[sflag:s7] =	ssyncadd.s32 $0xFFFFFE00  }
0x175: {  	_ =	sfence.sel $0x180000  }
0x176: {  	[bflag:$0x0] =	sbarrier.arrive $0xFFFF  }
0x177: {  	p0 =	sne.s32 s1, $0x0;
	_ =	strace $0x90000047  }
0x178: {  	s0 =	sadd.s32 @!p0 $0x100000, s0;
	[bflag:$0x2] =	sbarrier.arrive $0xFFFF  }
0x179: {  	[sflag:s0] =	ssyncadd.tile.s32 @!p0 $0x1;
	_ =	shalt  }
.Lfunc_end2:
_tile_overlayer_lowered:
.L_overlay_start_2:
0x17a: {  	(tag) =	ssettag $0x2  }
0x17b: {  	s0 =	rddreg [dreg:$0x0];
	s2 =	stileid.u32  }
0x17c: {  	s1 =	rddreg [dreg:$0x1];
	p0 =	sne.s32 s2, $0x0  }
0x17d: {  	s3 =	rddreg [dreg:$0x2];
	[bflag:$0x3] =	sbarrier.arrive $0xFFFF;
	s2 =	simm.s32 @!p0 $0x1C02  }
0x17e: {  	[timem:s3], [sflag:s2] =	dma.local @!p0 [hbm:s0], s1  }
0x17f: {  	s0 =	simm.s32 @!p0 $0x2  }
0x180: {  	_ =	swait.ge @!p0 [sflag:s0], s1  }
0x181: {  	s1 =	ssub.s32 @!p0 $0x0, s1;
	[sflag:s0] =	ssyncset.done @!p0 $0x0  }
0x182: {  	[sflag:s0] =	ssyncadd.s32 @!p0 s1  }
0x183: {  	[bflag:$0x3] =	sbarrier.arrive $0xFFFF  }
0x184: {  	_ =	shalt  }

</sc_bundles>
